<compile_context>
chip_gen: v7x
topology: tpu7x:2x2x1
jax: 0.10.2.dev20260603
libtpu: 0.0.44.dev20260713+nightly
codegen_flags: <defaults>
</compile_context>

<pallas_src>
import functools

import jax
import jax.numpy as jnp
from jax import lax
from jax.experimental import pallas as pl
from jax.experimental.pallas import tpu as pltpu
from jax.experimental.pallas import tpu_sc as plsc

_NS = 16
_NC = 2


def _row_split(n, sid, f):
    base = (n // _NS) // 8 * 8
    last = n - (_NS - 1) * base

    @pl.when(sid < _NS - 1)
    def _():
        f(pl.multiple_of(sid * base, 8), base)

    @pl.when(sid == _NS - 1)
    def _():
        f((_NS - 1) * base, last)


def _make_degree(n, e):
    ept = e // (_NC * _NS)
    db = 200
    nb = ept // db
    rpt = n // _NS
    mesh = plsc.VectorSubcoreMesh(core_axis_name="c", subcore_axis_name="s")

    @functools.partial(
        pl.kernel, mesh=mesh,
        out_type=[jax.ShapeDtypeStruct((n,), jnp.float32),
                  jax.ShapeDtypeStruct((n,), jnp.float32)],
        scratch_types=[
            pltpu.VMEM((db,), jnp.int32),
            pltpu.VMEM((db,), jnp.float32),
            pltpu.VMEM((16,), jnp.float32),
            pltpu.VMEM_SHARED((n,), jnp.float32),
        ],
    )
    def deg_kernel(dst_h, ones_h, z1, out0, out1, didx, ones_v, stage, dacc):
        cid = lax.axis_index("c")
        sid = lax.axis_index("s")

        def zero(r0, cnt):
            def step(i, carry):
                r = pl.multiple_of(r0 + i * 16, 8)
                pltpu.sync_copy(z1.at[pl.ds(r, 16)], stage)
                pltpu.sync_copy(stage, dacc.at[pl.ds(r, 16)])
                return carry
            lax.fori_loop(0, cnt // 16, step, 0)

        _row_split(n, sid, zero)
        pltpu.sync_copy(ones_h, ones_v)
        plsc.subcore_barrier()

        def blk(b, carry):
            eb = cid * (e // 2) + sid * ept + b * db
            pltpu.sync_copy(dst_h.at[pl.ds(eb, db)], didx)
            pltpu.sync_copy(ones_v, dacc.at[didx], add=True)
            return carry

        lax.fori_loop(0, nb, blk, 0)
        plsc.subcore_barrier()

        def wb(out_ref):
            def f(r0, cnt):
                def step(i, carry):
                    r = pl.multiple_of(r0 + i * 16, 8)
                    pltpu.sync_copy(dacc.at[pl.ds(r, 16)], stage)
                    pltpu.sync_copy(stage, out_ref.at[pl.ds(r, 16)])
                    return carry
                lax.fori_loop(0, cnt // 16, step, 0)
            _row_split(n, sid, f)

        @pl.when(cid == 0)
        def _():
            wb(out0)

        @pl.when(cid == 1)
        def _():
            wb(out1)

    return deg_kernel


def _make_prop(n, e, w, cps):
    ept = e // _NS
    eb_sz = 80 if w >= 128 else 200
    nb = ept // eb_sz
    rpt = n // _NS
    mesh = plsc.VectorSubcoreMesh(core_axis_name="c", subcore_axis_name="s")
    cparams = ({"compiler_params": pltpu.CompilerParams(
        use_tc_tiling_on_sc=False)} if w < 128 else {})

    @functools.partial(
        pl.kernel, mesh=mesh, **cparams,
        out_type=jax.ShapeDtypeStruct((2 * cps, n, w), jnp.float32),
        scratch_types=(
            [pltpu.VMEM((eb_sz,), jnp.int32) for _ in range(8)] +
            [pltpu.VMEM((eb_sz, w), jnp.float32) for _ in range(2)] +
            [pltpu.VMEM((8, w), jnp.float32),
             pltpu.VMEM_SHARED((n, w), jnp.float32)] +
            [pltpu.SemaphoreType.DMA for _ in range(8)]),
    )
    def prop_kernel(hs, src_h, dst_h, z, out,
                    si0, si1, si2, si3, di0, di1, di2, di3,
                    rows0, rows1, stage, acc,
                    is0, is1, is2, is3, gsem0, gsem1, ssem0, ssem1):
        cid = lax.axis_index("c")
        sid = lax.axis_index("s")
        sidx = (si0, si1, si2, si3)
        didx = (di0, di1, di2, di3)
        rows = (rows0, rows1)
        isem = (is0, is1, is2, is3)
        gsem = (gsem0, gsem1)
        ssem = (ssem0, ssem1)

        def idx_load(b, slot):
            eb = sid * ept + b * eb_sz
            pltpu.async_copy(src_h.at[pl.ds(eb, eb_sz)], sidx[slot],
                             isem[slot])
            pltpu.async_copy(dst_h.at[pl.ds(eb, eb_sz)], didx[slot],
                             isem[slot])

        def idx_wait(slot):
            pltpu.make_async_copy(src_h.at[pl.ds(0, eb_sz)], sidx[slot],
                                  isem[slot]).wait()
            pltpu.make_async_copy(dst_h.at[pl.ds(0, eb_sz)], didx[slot],
                                  isem[slot]).wait()

        def scat_wait(q):
            pltpu.make_async_copy(rows[q], acc.at[didx[0]], ssem[q]).wait()

        def staged(srcf, dstf, r0, cnt):
            def step(i, carry):
                r = pl.multiple_of(r0 + i * 8, 8)
                pltpu.sync_copy(srcf(r, 8), stage.at[pl.ds(0, 8)])
                pltpu.sync_copy(stage.at[pl.ds(0, 8)], dstf(r, 8))
                return carry
            lax.fori_loop(0, cnt // 8, step, 0)

        def chunk_body(ch):
            _row_split(n, sid, lambda r0, cnt: staged(
                lambda r, c: z.at[pl.ds(r, c)],
                lambda r, c: acc.at[pl.ds(r, c)], r0, cnt))
            plsc.subcore_barrier()

            idx_load(0, 0)
            idx_load(1, 1)
            idx_load(2, 2)
            idx_wait(0)
            pltpu.async_copy(hs.at[ch].at[sidx[0]], rows[0], gsem[0])

            def quad(h, carry):
                for qq in range(4):
                    b = h * 4 + 1 + qq
                    q = (1 + qq) % 2
                    slot = (1 + qq) % 4
                    pslot = qq % 4
                    nslot = (3 + qq) % 4

                    @pl.when(b < nb)
                    def _():
                        idx_wait(slot)

                        @pl.when(b >= 2)
                        def _():
                            scat_wait(q)
                        pltpu.async_copy(hs.at[ch].at[sidx[slot]], rows[q],
                                         gsem[q])

                        @pl.when(b + 2 < nb)
                        def _():
                            idx_load(b + 2, nslot)
                        pltpu.make_async_copy(hs.at[ch].at[sidx[slot]],
                                              rows[1 - q], gsem[1 - q]).wait()
                        pltpu.async_copy(rows[1 - q], acc.at[didx[pslot]],
                                         ssem[1 - q], add=True)
                return carry

            lax.fori_loop(0, (nb + 2) // 4, quad, 0)
            lq = (nb - 1) % 2
            pltpu.make_async_copy(hs.at[ch].at[sidx[0]], rows[lq],
                                  gsem[lq]).wait()
            pltpu.async_copy(rows[lq], acc.at[didx[(nb - 1) % 4]], ssem[lq],
                             add=True)
            scat_wait(0)
            scat_wait(1)
            plsc.subcore_barrier()
            _row_split(n, sid, lambda r0, cnt: staged(
                lambda r, c: acc.at[pl.ds(r, c)],
                lambda r, c: out.at[ch, pl.ds(r, c)], r0, cnt))

    return prop_kernel


def _dinv_kernel(d0_ref, d1_ref, out_ref):
    s = d0_ref[...] + d1_ref[...] + 1.0
    out_ref[...] = lax.rsqrt(jnp.maximum(s, 1.0))


def _dinv(dp0, dp1, n, mb=2000):
    return pl.pallas_call(
        _dinv_kernel,
        grid=(n // mb,),
        in_specs=[pl.BlockSpec((mb, 1), lambda m: (m, 0)),
                  pl.BlockSpec((mb, 1), lambda m: (m, 0))],
        out_specs=pl.BlockSpec((mb, 1), lambda m: (m, 0)),
        out_shape=jax.ShapeDtypeStruct((n, 1), jnp.float32),
    )(dp0, dp1)


def _mm0_kernel(x_ref, w_ref, dinv_ref, out_ref):
    h = jnp.dot(x_ref[...], w_ref[...], preferred_element_type=jnp.float32)
    out_ref[0] = h * dinv_ref[...]


def _mm0(x, w0, dinv, n, din, mb=2000):
    return pl.pallas_call(
        _mm0_kernel,
        grid=(n // mb, 4),
        in_specs=[
            pl.BlockSpec((mb, din), lambda m, c: (m, 0)),
            pl.BlockSpec((din, 128), lambda m, c: (0, c)),
            pl.BlockSpec((mb, 1), lambda m, c: (m, 0)),
        ],
        out_specs=pl.BlockSpec((1, mb, 128), lambda m, c: (c, m, 0)),
        out_shape=jax.ShapeDtypeStruct((4, n, 128), jnp.float32),
        compiler_params=pltpu.CompilerParams(
            dimension_semantics=("parallel", "parallel")),
    )(x, w0, dinv)


def _mm_mid_kernel(kc_last, p_ref, hs_ref, b_ref, dinv_ref, w_ref, out_ref):
    kc = pl.program_id(2)
    x = dinv_ref[...] * (p_ref[0] + hs_ref[0]) + b_ref[0]
    x = jnp.maximum(x, 0.0)
    part = jnp.dot(x, w_ref[...], preferred_element_type=jnp.float32)

    @pl.when(kc == 0)
    def _():
        out_ref[0] = part

    @pl.when(kc != 0)
    def _():
        out_ref[0] += part

    @pl.when(kc == kc_last)
    def _():
        out_ref[0] *= dinv_ref[...]


def _mm_mid(p, hs, b, dinv, w, n, mb=2000):
    cout = w.shape[1] // 128
    kcn = w.shape[0] // 128
    return pl.pallas_call(
        functools.partial(_mm_mid_kernel, kcn - 1),
        grid=(n // mb, cout, kcn),
        in_specs=[
            pl.BlockSpec((1, mb, 128), lambda m, c, kc: (kc, m, 0)),
            pl.BlockSpec((1, mb, 128), lambda m, c, kc: (kc, m, 0)),
            pl.BlockSpec((1, 1, 128), lambda m, c, kc: (kc, 0, 0)),
            pl.BlockSpec((mb, 1), lambda m, c, kc: (m, 0)),
            pl.BlockSpec((128, 128), lambda m, c, kc: (kc, c)),
        ],
        out_specs=pl.BlockSpec((1, mb, 128), lambda m, c, kc: (c, m, 0)),
        out_shape=jax.ShapeDtypeStruct((cout, n, 128), jnp.float32),
        compiler_params=pltpu.CompilerParams(
            dimension_semantics=("parallel", "parallel", "arbitrary")),
    )(p, hs, b, dinv, w)


def _mm_narrow_kernel(kc_last, p_ref, hs_ref, b_ref, dinv_ref, w_ref, out_ref):
    kc = pl.program_id(1)
    x = dinv_ref[...] * (p_ref[0] + hs_ref[0]) + b_ref[0]
    x = jnp.maximum(x, 0.0)
    part = jnp.dot(x, w_ref[...], preferred_element_type=jnp.float32)

    @pl.when(kc == 0)
    def _():
        out_ref[0] = part[:, :32]
        out_ref[1] = part[:, 32:]

    @pl.when(kc != 0)
    def _():
        out_ref[0] += part[:, :32]
        out_ref[1] += part[:, 32:]

    @pl.when(kc == kc_last)
    def _():
        out_ref[0] *= dinv_ref[...]
        out_ref[1] *= dinv_ref[...]


def _mm_narrow(p, hs, b, dinv, w, n, mb=2000):
    kcn = w.shape[0] // 128
    return pl.pallas_call(
        functools.partial(_mm_narrow_kernel, kcn - 1),
        grid=(n // mb, kcn),
        in_specs=[
            pl.BlockSpec((1, mb, 128), lambda m, kc: (kc, m, 0)),
            pl.BlockSpec((1, mb, 128), lambda m, kc: (kc, m, 0)),
            pl.BlockSpec((1, 1, 128), lambda m, kc: (kc, 0, 0)),
            pl.BlockSpec((mb, 1), lambda m, kc: (m, 0)),
            pl.BlockSpec((128, 64), lambda m, kc: (kc, 0)),
        ],
        out_specs=pl.BlockSpec((2, mb, 32), lambda m, kc: (0, m, 0)),
        out_shape=jax.ShapeDtypeStruct((2, n, 32), jnp.float32),
        compiler_params=pltpu.CompilerParams(
            dimension_semantics=("parallel", "arbitrary")),
    )(p, hs, b, dinv, w)


def _final_kernel(p_ref, hs_ref, b_ref, dinv_ref, out_ref):
    d = dinv_ref[...]
    t0 = d * (p_ref[0] + hs_ref[0]) + b_ref[0]
    t1 = d * (p_ref[1] + hs_ref[1]) + b_ref[1]
    out_ref[...] = jnp.concatenate([t0, t1], axis=1)


def _final(p, hs, b, dinv, n, mb=2000):
    return pl.pallas_call(
        _final_kernel,
        grid=(n // mb,),
        in_specs=[
            pl.BlockSpec((2, mb, 32), lambda m: (0, m, 0)),
            pl.BlockSpec((2, mb, 32), lambda m: (0, m, 0)),
            pl.BlockSpec((2, 1, 32), lambda m: (0, 0, 0)),
            pl.BlockSpec((mb, 1), lambda m: (m, 0)),
        ],
        out_specs=pl.BlockSpec((mb, 64), lambda m: (m, 0)),
        out_shape=jax.ShapeDtypeStruct((n, 64), jnp.float32),
    )(p, hs, b, dinv)


def kernel(adj, features, W0, b0, W1, b1, W2, b2):
    n, din = features.shape
    e = adj.shape[1]
    hid = W1.shape[0]
    ncls = W2.shape[1]

    ones_h = jnp.ones((200,), jnp.float32)
    z1 = jnp.zeros((n,), jnp.float32)
    z128 = jnp.zeros((n, 128), jnp.float32)
    z32 = jnp.zeros((n, 32), jnp.float32)

    src = adj[0]
    dst = adj[1]
    dp0, dp1 = _make_degree(n, e)(dst, ones_h, z1)
    dinv = _dinv(dp0.reshape(n, 1), dp1.reshape(n, 1), n)

    prop_wide = _make_prop(n, e, 128, 2)
    prop_narrow = _make_prop(n, e, 32, 1)

    hs0 = _mm0(features, W0, dinv, n, din)
    p0 = prop_wide(hs0, src, dst, z128)
    hs1 = _mm_mid(p0, hs0, b0.reshape(hid // 128, 1, 128), dinv, W1, n)
    p1 = prop_wide(hs1, src, dst, z128)
    hs2 = _mm_narrow(p1, hs1, b1.reshape(hid // 128, 1, 128), dinv, W2, n)
    p2 = prop_narrow(hs2, src, dst, z32)
    out = _final(p2, hs2, b2.reshape(2, 1, 32), dinv, n)
    return out

# --- scband reference (transcript-rebuilt; emitter-appended) ---
"""Pipeline reference for scband-gaug-m-31490700214328 (READ-ONLY COPY).

The authoritative reference and input builder live on the scoring server;
editing this copy changes nothing except your own understanding.
"""

import jax, jax.numpy as jnp
import numpy as np

N = 10000
E = 160000
IN_DIM = 256
HID = 512
N_CLASSES = 64


def setup_inputs(seed: int = 0) -> dict:
    key = jax.random.key(seed)
    ks = jax.random.split(key, 8)
    features = jax.random.normal(ks[0], (N, IN_DIM), dtype=jnp.float32)
    adj = jax.random.randint(ks[1], (2, E), 0, N, dtype=jnp.int32)
    W0 = jax.random.normal(ks[2], (IN_DIM, HID), dtype=jnp.float32) * (1.0 / np.sqrt(IN_DIM))
    b0 = jnp.zeros((HID,), dtype=jnp.float32)
    W1 = jax.random.normal(ks[3], (HID, HID), dtype=jnp.float32) * (1.0 / np.sqrt(HID))
    b1 = jnp.zeros((HID,), dtype=jnp.float32)
    W2 = jax.random.normal(ks[4], (HID, N_CLASSES), dtype=jnp.float32) * (1.0 / np.sqrt(HID))
    b2 = jnp.zeros((N_CLASSES,), dtype=jnp.float32)
    return {"adj": adj, "features": features, "W0": W0, "b0": b0, "W1": W1, "b1": b1, "W2": W2, "b2": b2}


def _gcn_layer(x, src, dst, norm, W, b):
    # x: [N, d_in]; symmetric-normalized message passing (GCN)
    h = x @ W
    msg = h[src] * norm[:, None]
    out = jnp.zeros((x.shape[0], h.shape[1]), dtype=h.dtype).at[dst].add(msg)
    return out + b


def reference(adj, features, W0, b0, W1, b1, W2, b2):
    n = features.shape[0]
    loop = jnp.arange(n, dtype=adj.dtype)
    src = jnp.concatenate([adj[0], loop])
    dst = jnp.concatenate([adj[1], loop])
    deg = jnp.zeros((n,), dtype=jnp.float32).at[dst].add(1.0)
    dinv = jax.lax.rsqrt(jnp.maximum(deg, 1.0))
    norm = dinv[src] * dinv[dst]
    h = _gcn_layer(features, src, dst, norm, W0, b0)
    h = jax.nn.relu(h)
    h = _gcn_layer(h, src, dst, norm, W1, b1)
    h = jax.nn.relu(h)
    h = _gcn_layer(h, src, dst, norm, W2, b2)
    return h

if __name__ == "__main__":
    import jax
    _d = setup_inputs()
    print(jax.jit(kernel)(*tuple(_d.values())))

</pallas_src>

<mosaic_0001>
#map = affine_map<(d0, d1) -> (0)>
module attributes {stable_mosaic.version = 14 : i64} {
  func.func @deg_kernel(%arg0: i32, %arg1: i32, %arg2: memref<160000xi32, #tpu.memory_space<hbm>>, %arg3: memref<200xf32, #tpu.memory_space<hbm>>, %arg4: memref<10000xf32, #tpu.memory_space<hbm>>, %arg5: memref<10000xf32, #tpu.memory_space<hbm>>, %arg6: memref<10000xf32, #tpu.memory_space<hbm>>, %arg7: memref<200xi32, #tpu.memory_space<vmem>>, %arg8: memref<200xf32, #tpu.memory_space<vmem>>, %arg9: memref<16xf32, #tpu.memory_space<vmem>>, %arg10: memref<10000xf32, #tpu.memory_space<vmem_shared>>) attributes {dimension_semantics = [#tpu.dimension_semantics<core_parallel>, #tpu.dimension_semantics<subcore_parallel>], iteration_bounds = array<i64: 2, 16>, scalar_prefetch = 0 : i64, scratch_operands = 4 : i64, tpu.core_type = #tpu.core_type<sc_vector_subcore>, window_params = [{transform_indices = #map}, {transform_indices = #map}, {transform_indices = #map}, {transform_indices = #map}, {transform_indices = #map}]} {
    %lt3A = arith.constant 15 : i32
    %lt3A_0 = arith.cmpi slt, %arg1, %lt3A : i32
    %convert_element_type3A = arith.extui %lt3A_0 : i1 to i32
    %cond3A = arith.constant 0 : i32
    %cond3A_1 = arith.cmpi ne, %convert_element_type3A, %cond3A : i32
    scf.if %cond3A_1 {
      %mul3A = arith.constant 624 : i32
      %mul3A_22 = arith.muli %arg1, %mul3A : i32
      %multiple_of3A = tpu.assume_multiple %mul3A_22, 8 : i32
      %scan3A_23 = arith.constant 0 : i32
      %scan3A_24 = arith.constant 0 : i32
      %scan3A_25 = arith.constant 39 : i32
      %scan3A_26 = arith.addi %scan3A_24, %scan3A_25 : i32
      %scan3A_27 = arith.constant 1 : i32
      scf.for %scan3A_29 = %scan3A_24 to %scan3A_26 step %scan3A_27  : i32 {
        %mul3A_30 = arith.constant 16 : i32
        %mul3A_31 = arith.muli %scan3A_29, %mul3A_30 : i32
        %add3A = arith.addi %multiple_of3A, %mul3A_31 : i32
        %multiple_of3A_32 = tpu.assume_multiple %add3A, 8 : i32
        "tpu.region"() ({
          %run_scoped3A = tpu.sem_alloc : memref<!tpu.dma_semaphore, #tpu.memory_space<semaphore_mem>>
          %dma_start3A = tpu.memref_slice %arg4[%multiple_of3A_32] : memref<10000xf32, #tpu.memory_space<hbm>> -> memref<16xf32, #tpu.memory_space<hbm>>
          %dma_start3A_33 = tpu.memref_slice %arg4[%multiple_of3A_32] : memref<10000xf32, #tpu.memory_space<hbm>> -> memref<16xf32, #tpu.memory_space<hbm>>
          tpu.enqueue_dma source(%dma_start3A_33 : memref<16xf32, #tpu.memory_space<hbm>>) target(%arg9 : memref<16xf32, #tpu.memory_space<vmem>>) target_semaphore(%run_scoped3A : memref<!tpu.dma_semaphore, #tpu.memory_space<semaphore_mem>>)
          %dma_wait3A = tpu.memref_slice %arg4[%multiple_of3A_32] : memref<10000xf32, #tpu.memory_space<hbm>> -> memref<16xf32, #tpu.memory_space<hbm>>
          %dma_wait3A_34 = tpu.memref_slice %arg4[%multiple_of3A_32] : memref<10000xf32, #tpu.memory_space<hbm>> -> memref<16xf32, #tpu.memory_space<hbm>>
          tpu.wait_dma2 semaphore(%run_scoped3A : memref<!tpu.dma_semaphore, #tpu.memory_space<semaphore_mem>>) src(%dma_wait3A_34 : memref<16xf32, #tpu.memory_space<hbm>>) dst(%arg9 : memref<16xf32, #tpu.memory_space<vmem>>)
          tpu.yield
        }) : () -> ()
        "tpu.region"() ({
          %run_scoped3A = tpu.sem_alloc : memref<!tpu.dma_semaphore, #tpu.memory_space<semaphore_mem>>
          %dma_start3A = tpu.memref_slice %arg10[%multiple_of3A_32] : memref<10000xf32, #tpu.memory_space<vmem_shared>> -> memref<16xf32, #tpu.memory_space<vmem_shared>>
          %dma_start3A_33 = tpu.memref_slice %arg10[%multiple_of3A_32] : memref<10000xf32, #tpu.memory_space<vmem_shared>> -> memref<16xf32, #tpu.memory_space<vmem_shared>>
          tpu.enqueue_dma source(%arg9 : memref<16xf32, #tpu.memory_space<vmem>>) target(%dma_start3A_33 : memref<16xf32, #tpu.memory_space<vmem_shared>>) target_semaphore(%run_scoped3A : memref<!tpu.dma_semaphore, #tpu.memory_space<semaphore_mem>>)
          %dma_wait3A = tpu.memref_slice %arg10[%multiple_of3A_32] : memref<10000xf32, #tpu.memory_space<vmem_shared>> -> memref<16xf32, #tpu.memory_space<vmem_shared>>
          %dma_wait3A_34 = tpu.memref_slice %arg10[%multiple_of3A_32] : memref<10000xf32, #tpu.memory_space<vmem_shared>> -> memref<16xf32, #tpu.memory_space<vmem_shared>>
          tpu.wait_dma2 semaphore(%run_scoped3A : memref<!tpu.dma_semaphore, #tpu.memory_space<semaphore_mem>>) src(%arg9 : memref<16xf32, #tpu.memory_space<vmem>>) dst(%dma_wait3A_34 : memref<16xf32, #tpu.memory_space<vmem_shared>>)
          tpu.yield
        }) : () -> ()
      }
      %scan3A_28 = arith.constant 39 : i32
    } else {
    }
    %eq3A = arith.constant 15 : i32
    %eq3A_2 = arith.cmpi eq, %arg1, %eq3A : i32
    %convert_element_type3A_3 = arith.extui %eq3A_2 : i1 to i32
    %cond3A_4 = arith.constant 0 : i32
    %cond3A_5 = arith.cmpi ne, %convert_element_type3A_3, %cond3A_4 : i32
    scf.if %cond3A_5 {
      %scan3A_22 = arith.constant 0 : i32
      %scan3A_23 = arith.constant 0 : i32
      %scan3A_24 = arith.constant 40 : i32
      %scan3A_25 = arith.addi %scan3A_23, %scan3A_24 : i32
      %scan3A_26 = arith.constant 1 : i32
      scf.for %scan3A_28 = %scan3A_23 to %scan3A_25 step %scan3A_26  : i32 {
        %mul3A = arith.constant 16 : i32
        %mul3A_29 = arith.muli %scan3A_28, %mul3A : i32
        %add3A = arith.constant 9360 : i32
        %add3A_30 = arith.addi %add3A, %mul3A_29 : i32
        %multiple_of3A = tpu.assume_multiple %add3A_30, 8 : i32
        "tpu.region"() ({
          %run_scoped3A = tpu.sem_alloc : memref<!tpu.dma_semaphore, #tpu.memory_space<semaphore_mem>>
          %dma_start3A = tpu.memref_slice %arg4[%multiple_of3A] : memref<10000xf32, #tpu.memory_space<hbm>> -> memref<16xf32, #tpu.memory_space<hbm>>
          %dma_start3A_31 = tpu.memref_slice %arg4[%multiple_of3A] : memref<10000xf32, #tpu.memory_space<hbm>> -> memref<16xf32, #tpu.memory_space<hbm>>
          tpu.enqueue_dma source(%dma_start3A_31 : memref<16xf32, #tpu.memory_space<hbm>>) target(%arg9 : memref<16xf32, #tpu.memory_space<vmem>>) target_semaphore(%run_scoped3A : memref<!tpu.dma_semaphore, #tpu.memory_space<semaphore_mem>>)
          %dma_wait3A = tpu.memref_slice %arg4[%multiple_of3A] : memref<10000xf32, #tpu.memory_space<hbm>> -> memref<16xf32, #tpu.memory_space<hbm>>
          %dma_wait3A_32 = tpu.memref_slice %arg4[%multiple_of3A] : memref<10000xf32, #tpu.memory_space<hbm>> -> memref<16xf32, #tpu.memory_space<hbm>>
          tpu.wait_dma2 semaphore(%run_scoped3A : memref<!tpu.dma_semaphore, #tpu.memory_space<semaphore_mem>>) src(%dma_wait3A_32 : memref<16xf32, #tpu.memory_space<hbm>>) dst(%arg9 : memref<16xf32, #tpu.memory_space<vmem>>)
          tpu.yield
        }) : () -> ()
        "tpu.region"() ({
          %run_scoped3A = tpu.sem_alloc : memref<!tpu.dma_semaphore, #tpu.memory_space<semaphore_mem>>
          %dma_start3A = tpu.memref_slice %arg10[%multiple_of3A] : memref<10000xf32, #tpu.memory_space<vmem_shared>> -> memref<16xf32, #tpu.memory_space<vmem_shared>>
          %dma_start3A_31 = tpu.memref_slice %arg10[%multiple_of3A] : memref<10000xf32, #tpu.memory_space<vmem_shared>> -> memref<16xf32, #tpu.memory_space<vmem_shared>>
          tpu.enqueue_dma source(%arg9 : memref<16xf32, #tpu.memory_space<vmem>>) target(%dma_start3A_31 : memref<16xf32, #tpu.memory_space<vmem_shared>>) target_semaphore(%run_scoped3A : memref<!tpu.dma_semaphore, #tpu.memory_space<semaphore_mem>>)
          %dma_wait3A = tpu.memref_slice %arg10[%multiple_of3A] : memref<10000xf32, #tpu.memory_space<vmem_shared>> -> memref<16xf32, #tpu.memory_space<vmem_shared>>
          %dma_wait3A_32 = tpu.memref_slice %arg10[%multiple_of3A] : memref<10000xf32, #tpu.memory_space<vmem_shared>> -> memref<16xf32, #tpu.memory_space<vmem_shared>>
          tpu.wait_dma2 semaphore(%run_scoped3A : memref<!tpu.dma_semaphore, #tpu.memory_space<semaphore_mem>>) src(%arg9 : memref<16xf32, #tpu.memory_space<vmem>>) dst(%dma_wait3A_32 : memref<16xf32, #tpu.memory_space<vmem_shared>>)
          tpu.yield
        }) : () -> ()
      }
      %scan3A_27 = arith.constant 40 : i32
    } else {
    }
    "tpu.region"() ({
      %run_scoped3A = tpu.sem_alloc : memref<!tpu.dma_semaphore, #tpu.memory_space<semaphore_mem>>
      tpu.enqueue_dma source(%arg3 : memref<200xf32, #tpu.memory_space<hbm>>) target(%arg8 : memref<200xf32, #tpu.memory_space<vmem>>) target_semaphore(%run_scoped3A : memref<!tpu.dma_semaphore, #tpu.memory_space<semaphore_mem>>)
      tpu.wait_dma2 semaphore(%run_scoped3A : memref<!tpu.dma_semaphore, #tpu.memory_space<semaphore_mem>>) src(%arg3 : memref<200xf32, #tpu.memory_space<hbm>>) dst(%arg8 : memref<200xf32, #tpu.memory_space<vmem>>)
      tpu.yield
    }) : () -> ()
    %barrier3A = arith.constant 0 : index
    tpu.barrier barrier_id(%barrier3A)
    %scan3A = arith.constant 0 : i32
    %scan3A_6 = arith.constant 0 : i32
    %scan3A_7 = arith.constant 25 : i32
    %scan3A_8 = arith.addi %scan3A_6, %scan3A_7 : i32
    %scan3A_9 = arith.constant 1 : i32
    scf.for %scan3A_22 = %scan3A_6 to %scan3A_8 step %scan3A_9  : i32 {
      %mul3A = arith.constant 80000 : i32
      %mul3A_23 = arith.muli %arg0, %mul3A : i32
      %mul3A_24 = arith.constant 5000 : i32
      %mul3A_25 = arith.muli %arg1, %mul3A_24 : i32
      %add3A = arith.addi %mul3A_23, %mul3A_25 : i32
      %mul3A_26 = arith.constant 200 : i32
      %mul3A_27 = arith.muli %scan3A_22, %mul3A_26 : i32
      %add3A_28 = arith.addi %add3A, %mul3A_27 : i32
      "tpu.region"() ({
        %run_scoped3A = tpu.sem_alloc : memref<!tpu.dma_semaphore, #tpu.memory_space<semaphore_mem>>
        %dma_start3A = tpu.memref_slice %arg2[%add3A_28] : memref<160000xi32, #tpu.memory_space<hbm>> -> memref<200xi32, #tpu.memory_space<hbm>>
        %dma_start3A_29 = tpu.memref_slice %arg2[%add3A_28] : memref<160000xi32, #tpu.memory_space<hbm>> -> memref<200xi32, #tpu.memory_space<hbm>>
        tpu.enqueue_dma source(%dma_start3A_29 : memref<200xi32, #tpu.memory_space<hbm>>) target(%arg7 : memref<200xi32, #tpu.memory_space<vmem>>) target_semaphore(%run_scoped3A : memref<!tpu.dma_semaphore, #tpu.memory_space<semaphore_mem>>)
        %dma_wait3A = tpu.memref_slice %arg2[%add3A_28] : memref<160000xi32, #tpu.memory_space<hbm>> -> memref<200xi32, #tpu.memory_space<hbm>>
        %dma_wait3A_30 = tpu.memref_slice %arg2[%add3A_28] : memref<160000xi32, #tpu.memory_space<hbm>> -> memref<200xi32, #tpu.memory_space<hbm>>
        tpu.wait_dma2 semaphore(%run_scoped3A : memref<!tpu.dma_semaphore, #tpu.memory_space<semaphore_mem>>) src(%dma_wait3A_30 : memref<200xi32, #tpu.memory_space<hbm>>) dst(%arg7 : memref<200xi32, #tpu.memory_space<vmem>>)
        tpu.yield
      }) : () -> ()
      "tpu.region"() ({
        %run_scoped3A = tpu.sem_alloc : memref<!tpu.dma_semaphore, #tpu.memory_space<semaphore_mem>>
        %dma_start3A = arith.constant 0 : i32
        %dma_start3A_29 = tpu.memref_slice %arg10[%dma_start3A] : memref<10000xf32, #tpu.memory_space<vmem_shared>> -> memref<10000xf32, #tpu.memory_space<vmem_shared>>
        tpu.enqueue_indirect_dma source(%arg8 : memref<200xf32, #tpu.memory_space<vmem>>) target(%dma_start3A_29 : memref<10000xf32, #tpu.memory_space<vmem_shared>>) offsets(%arg7 : memref<200xi32, #tpu.memory_space<vmem>>) semaphore(%run_scoped3A : memref<!tpu.dma_semaphore, #tpu.memory_space<semaphore_mem>>) {add = true}
        %dma_wait3A = arith.constant 0 : i32
        %dma_wait3A_30 = tpu.memref_slice %arg10[%dma_wait3A] : memref<10000xf32, #tpu.memory_space<vmem_shared>> -> memref<10000xf32, #tpu.memory_space<vmem_shared>>
        tpu.wait_indirect_dma semaphore(%run_scoped3A : memref<!tpu.dma_semaphore, #tpu.memory_space<semaphore_mem>>) src(%arg8 : memref<200xf32, #tpu.memory_space<vmem>>) dst(%dma_wait3A_30 : memref<10000xf32, #tpu.memory_space<vmem_shared>>)
        tpu.yield
      }) : () -> ()
    }
    %scan3A_10 = arith.constant 25 : i32
    %barrier3A_11 = arith.constant 0 : index
    tpu.barrier barrier_id(%barrier3A_11)
    %eq3A_12 = arith.constant 0 : i32
    %eq3A_13 = arith.cmpi eq, %arg0, %eq3A_12 : i32
    %convert_element_type3A_14 = arith.extui %eq3A_13 : i1 to i32
    %cond3A_15 = arith.constant 0 : i32
    %cond3A_16 = arith.cmpi ne, %convert_element_type3A_14, %cond3A_15 : i32
    scf.if %cond3A_16 {
      %lt3A_22 = arith.constant 15 : i32
      %lt3A_23 = arith.cmpi slt, %arg1, %lt3A_22 : i32
      %convert_element_type3A_24 = arith.extui %lt3A_23 : i1 to i32
      %cond3A_25 = arith.constant 0 : i32
      %cond3A_26 = arith.cmpi ne, %convert_element_type3A_24, %cond3A_25 : i32
      scf.if %cond3A_26 {
        %mul3A = arith.constant 624 : i32
        %mul3A_32 = arith.muli %arg1, %mul3A : i32
        %multiple_of3A = tpu.assume_multiple %mul3A_32, 8 : i32
        %scan3A_33 = arith.constant 0 : i32
        %scan3A_34 = arith.constant 0 : i32
        %scan3A_35 = arith.constant 39 : i32
        %scan3A_36 = arith.addi %scan3A_34, %scan3A_35 : i32
        %scan3A_37 = arith.constant 1 : i32
        scf.for %scan3A_39 = %scan3A_34 to %scan3A_36 step %scan3A_37  : i32 {
          %mul3A_40 = arith.constant 16 : i32
          %mul3A_41 = arith.muli %scan3A_39, %mul3A_40 : i32
          %add3A = arith.addi %multiple_of3A, %mul3A_41 : i32
          %multiple_of3A_42 = tpu.assume_multiple %add3A, 8 : i32
          "tpu.region"() ({
            %run_scoped3A = tpu.sem_alloc : memref<!tpu.dma_semaphore, #tpu.memory_space<semaphore_mem>>
            %dma_start3A = tpu.memref_slice %arg10[%multiple_of3A_42] : memref<10000xf32, #tpu.memory_space<vmem_shared>> -> memref<16xf32, #tpu.memory_space<vmem_shared>>
            %dma_start3A_43 = tpu.memref_slice %arg10[%multiple_of3A_42] : memref<10000xf32, #tpu.memory_space<vmem_shared>> -> memref<16xf32, #tpu.memory_space<vmem_shared>>
            tpu.enqueue_dma source(%dma_start3A_43 : memref<16xf32, #tpu.memory_space<vmem_shared>>) target(%arg9 : memref<16xf32, #tpu.memory_space<vmem>>) target_semaphore(%run_scoped3A : memref<!tpu.dma_semaphore, #tpu.memory_space<semaphore_mem>>)
            %dma_wait3A = tpu.memref_slice %arg10[%multiple_of3A_42] : memref<10000xf32, #tpu.memory_space<vmem_shared>> -> memref<16xf32, #tpu.memory_space<vmem_shared>>
            %dma_wait3A_44 = tpu.memref_slice %arg10[%multiple_of3A_42] : memref<10000xf32, #tpu.memory_space<vmem_shared>> -> memref<16xf32, #tpu.memory_space<vmem_shared>>
            tpu.wait_dma2 semaphore(%run_scoped3A : memref<!tpu.dma_semaphore, #tpu.memory_space<semaphore_mem>>) src(%dma_wait3A_44 : memref<16xf32, #tpu.memory_space<vmem_shared>>) dst(%arg9 : memref<16xf32, #tpu.memory_space<vmem>>)
            tpu.yield
          }) : () -> ()
          "tpu.region"() ({
            %run_scoped3A = tpu.sem_alloc : memref<!tpu.dma_semaphore, #tpu.memory_space<semaphore_mem>>
            %dma_start3A = tpu.memref_slice %arg5[%multiple_of3A_42] : memref<10000xf32, #tpu.memory_space<hbm>> -> memref<16xf32, #tpu.memory_space<hbm>>
            %dma_start3A_43 = tpu.memref_slice %arg5[%multiple_of3A_42] : memref<10000xf32, #tpu.memory_space<hbm>> -> memref<16xf32, #tpu.memory_space<hbm>>
            tpu.enqueue_dma source(%arg9 : memref<16xf32, #tpu.memory_space<vmem>>) target(%dma_start3A_43 : memref<16xf32, #tpu.memory_space<hbm>>) target_semaphore(%run_scoped3A : memref<!tpu.dma_semaphore, #tpu.memory_space<semaphore_mem>>)
            %dma_wait3A = tpu.memref_slice %arg5[%multiple_of3A_42] : memref<10000xf32, #tpu.memory_space<hbm>> -> memref<16xf32, #tpu.memory_space<hbm>>
            %dma_wait3A_44 = tpu.memref_slice %arg5[%multiple_of3A_42] : memref<10000xf32, #tpu.memory_space<hbm>> -> memref<16xf32, #tpu.memory_space<hbm>>
            tpu.wait_dma2 semaphore(%run_scoped3A : memref<!tpu.dma_semaphore, #tpu.memory_space<semaphore_mem>>) src(%arg9 : memref<16xf32, #tpu.memory_space<vmem>>) dst(%dma_wait3A_44 : memref<16xf32, #tpu.memory_space<hbm>>)
            tpu.yield
          }) : () -> ()
        }
        %scan3A_38 = arith.constant 39 : i32
      } else {
      }
      %eq3A_27 = arith.constant 15 : i32
      %eq3A_28 = arith.cmpi eq, %arg1, %eq3A_27 : i32
      %convert_element_type3A_29 = arith.extui %eq3A_28 : i1 to i32
      %cond3A_30 = arith.constant 0 : i32
      %cond3A_31 = arith.cmpi ne, %convert_element_type3A_29, %cond3A_30 : i32
      scf.if %cond3A_31 {
        %scan3A_32 = arith.constant 0 : i32
        %scan3A_33 = arith.constant 0 : i32
        %scan3A_34 = arith.constant 40 : i32
        %scan3A_35 = arith.addi %scan3A_33, %scan3A_34 : i32
        %scan3A_36 = arith.constant 1 : i32
        scf.for %scan3A_38 = %scan3A_33 to %scan3A_35 step %scan3A_36  : i32 {
          %mul3A = arith.constant 16 : i32
          %mul3A_39 = arith.muli %scan3A_38, %mul3A : i32
          %add3A = arith.constant 9360 : i32
          %add3A_40 = arith.addi %add3A, %mul3A_39 : i32
          %multiple_of3A = tpu.assume_multiple %add3A_40, 8 : i32
          "tpu.region"() ({
            %run_scoped3A = tpu.sem_alloc : memref<!tpu.dma_semaphore, #tpu.memory_space<semaphore_mem>>
            %dma_start3A = tpu.memref_slice %arg10[%multiple_of3A] : memref<10000xf32, #tpu.memory_space<vmem_shared>> -> memref<16xf32, #tpu.memory_space<vmem_shared>>
            %dma_start3A_41 = tpu.memref_slice %arg10[%multiple_of3A] : memref<10000xf32, #tpu.memory_space<vmem_shared>> -> memref<16xf32, #tpu.memory_space<vmem_shared>>
            tpu.enqueue_dma source(%dma_start3A_41 : memref<16xf32, #tpu.memory_space<vmem_shared>>) target(%arg9 : memref<16xf32, #tpu.memory_space<vmem>>) target_semaphore(%run_scoped3A : memref<!tpu.dma_semaphore, #tpu.memory_space<semaphore_mem>>)
            %dma_wait3A = tpu.memref_slice %arg10[%multiple_of3A] : memref<10000xf32, #tpu.memory_space<vmem_shared>> -> memref<16xf32, #tpu.memory_space<vmem_shared>>
            %dma_wait3A_42 = tpu.memref_slice %arg10[%multiple_of3A] : memref<10000xf32, #tpu.memory_space<vmem_shared>> -> memref<16xf32, #tpu.memory_space<vmem_shared>>
            tpu.wait_dma2 semaphore(%run_scoped3A : memref<!tpu.dma_semaphore, #tpu.memory_space<semaphore_mem>>) src(%dma_wait3A_42 : memref<16xf32, #tpu.memory_space<vmem_shared>>) dst(%arg9 : memref<16xf32, #tpu.memory_space<vmem>>)
            tpu.yield
          }) : () -> ()
          "tpu.region"() ({
            %run_scoped3A = tpu.sem_alloc : memref<!tpu.dma_semaphore, #tpu.memory_space<semaphore_mem>>
            %dma_start3A = tpu.memref_slice %arg5[%multiple_of3A] : memref<10000xf32, #tpu.memory_space<hbm>> -> memref<16xf32, #tpu.memory_space<hbm>>
            %dma_start3A_41 = tpu.memref_slice %arg5[%multiple_of3A] : memref<10000xf32, #tpu.memory_space<hbm>> -> memref<16xf32, #tpu.memory_space<hbm>>
            tpu.enqueue_dma source(%arg9 : memref<16xf32, #tpu.memory_space<vmem>>) target(%dma_start3A_41 : memref<16xf32, #tpu.memory_space<hbm>>) target_semaphore(%run_scoped3A : memref<!tpu.dma_semaphore, #tpu.memory_space<semaphore_mem>>)
            %dma_wait3A = tpu.memref_slice %arg5[%multiple_of3A] : memref<10000xf32, #tpu.memory_space<hbm>> -> memref<16xf32, #tpu.memory_space<hbm>>
            %dma_wait3A_42 = tpu.memref_slice %arg5[%multiple_of3A] : memref<10000xf32, #tpu.memory_space<hbm>> -> memref<16xf32, #tpu.memory_space<hbm>>
            tpu.wait_dma2 semaphore(%run_scoped3A : memref<!tpu.dma_semaphore, #tpu.memory_space<semaphore_mem>>) src(%arg9 : memref<16xf32, #tpu.memory_space<vmem>>) dst(%dma_wait3A_42 : memref<16xf32, #tpu.memory_space<hbm>>)
            tpu.yield
          }) : () -> ()
        }
        %scan3A_37 = arith.constant 40 : i32
      } else {
      }
    } else {
    }
    %eq3A_17 = arith.constant 1 : i32
    %eq3A_18 = arith.cmpi eq, %arg0, %eq3A_17 : i32
    %convert_element_type3A_19 = arith.extui %eq3A_18 : i1 to i32
    %cond3A_20 = arith.constant 0 : i32
    %cond3A_21 = arith.cmpi ne, %convert_element_type3A_19, %cond3A_20 : i32
    scf.if %cond3A_21 {
      %lt3A_22 = arith.constant 15 : i32
      %lt3A_23 = arith.cmpi slt, %arg1, %lt3A_22 : i32
      %convert_element_type3A_24 = arith.extui %lt3A_23 : i1 to i32
      %cond3A_25 = arith.constant 0 : i32
      %cond3A_26 = arith.cmpi ne, %convert_element_type3A_24, %cond3A_25 : i32
      scf.if %cond3A_26 {
        %mul3A = arith.constant 624 : i32
        %mul3A_32 = arith.muli %arg1, %mul3A : i32
        %multiple_of3A = tpu.assume_multiple %mul3A_32, 8 : i32
        %scan3A_33 = arith.constant 0 : i32
        %scan3A_34 = arith.constant 0 : i32
        %scan3A_35 = arith.constant 39 : i32
        %scan3A_36 = arith.addi %scan3A_34, %scan3A_35 : i32
        %scan3A_37 = arith.constant 1 : i32
        scf.for %scan3A_39 = %scan3A_34 to %scan3A_36 step %scan3A_37  : i32 {
          %mul3A_40 = arith.constant 16 : i32
          %mul3A_41 = arith.muli %scan3A_39, %mul3A_40 : i32
          %add3A = arith.addi %multiple_of3A, %mul3A_41 : i32
          %multiple_of3A_42 = tpu.assume_multiple %add3A, 8 : i32
          "tpu.region"() ({
            %run_scoped3A = tpu.sem_alloc : memref<!tpu.dma_semaphore, #tpu.memory_space<semaphore_mem>>
            %dma_start3A = tpu.memref_slice %arg10[%multiple_of3A_42] : memref<10000xf32, #tpu.memory_space<vmem_shared>> -> memref<16xf32, #tpu.memory_space<vmem_shared>>
            %dma_start3A_43 = tpu.memref_slice %arg10[%multiple_of3A_42] : memref<10000xf32, #tpu.memory_space<vmem_shared>> -> memref<16xf32, #tpu.memory_space<vmem_shared>>
            tpu.enqueue_dma source(%dma_start3A_43 : memref<16xf32, #tpu.memory_space<vmem_shared>>) target(%arg9 : memref<16xf32, #tpu.memory_space<vmem>>) target_semaphore(%run_scoped3A : memref<!tpu.dma_semaphore, #tpu.memory_space<semaphore_mem>>)
            %dma_wait3A = tpu.memref_slice %arg10[%multiple_of3A_42] : memref<10000xf32, #tpu.memory_space<vmem_shared>> -> memref<16xf32, #tpu.memory_space<vmem_shared>>
            %dma_wait3A_44 = tpu.memref_slice %arg10[%multiple_of3A_42] : memref<10000xf32, #tpu.memory_space<vmem_shared>> -> memref<16xf32, #tpu.memory_space<vmem_shared>>
            tpu.wait_dma2 semaphore(%run_scoped3A : memref<!tpu.dma_semaphore, #tpu.memory_space<semaphore_mem>>) src(%dma_wait3A_44 : memref<16xf32, #tpu.memory_space<vmem_shared>>) dst(%arg9 : memref<16xf32, #tpu.memory_space<vmem>>)
            tpu.yield
          }) : () -> ()
          "tpu.region"() ({
            %run_scoped3A = tpu.sem_alloc : memref<!tpu.dma_semaphore, #tpu.memory_space<semaphore_mem>>
            %dma_start3A = tpu.memref_slice %arg6[%multiple_of3A_42] : memref<10000xf32, #tpu.memory_space<hbm>> -> memref<16xf32, #tpu.memory_space<hbm>>
            %dma_start3A_43 = tpu.memref_slice %arg6[%multiple_of3A_42] : memref<10000xf32, #tpu.memory_space<hbm>> -> memref<16xf32, #tpu.memory_space<hbm>>
            tpu.enqueue_dma source(%arg9 : memref<16xf32, #tpu.memory_space<vmem>>) target(%dma_start3A_43 : memref<16xf32, #tpu.memory_space<hbm>>) target_semaphore(%run_scoped3A : memref<!tpu.dma_semaphore, #tpu.memory_space<semaphore_mem>>)
            %dma_wait3A = tpu.memref_slice %arg6[%multiple_of3A_42] : memref<10000xf32, #tpu.memory_space<hbm>> -> memref<16xf32, #tpu.memory_space<hbm>>
            %dma_wait3A_44 = tpu.memref_slice %arg6[%multiple_of3A_42] : memref<10000xf32, #tpu.memory_space<hbm>> -> memref<16xf32, #tpu.memory_space<hbm>>
            tpu.wait_dma2 semaphore(%run_scoped3A : memref<!tpu.dma_semaphore, #tpu.memory_space<semaphore_mem>>) src(%arg9 : memref<16xf32, #tpu.memory_space<vmem>>) dst(%dma_wait3A_44 : memref<16xf32, #tpu.memory_space<hbm>>)
            tpu.yield
          }) : () -> ()
        }
        %scan3A_38 = arith.constant 39 : i32
      } else {
      }
      %eq3A_27 = arith.constant 15 : i32
      %eq3A_28 = arith.cmpi eq, %arg1, %eq3A_27 : i32
      %convert_element_type3A_29 = arith.extui %eq3A_28 : i1 to i32
      %cond3A_30 = arith.constant 0 : i32
      %cond3A_31 = arith.cmpi ne, %convert_element_type3A_29, %cond3A_30 : i32
      scf.if %cond3A_31 {
        %scan3A_32 = arith.constant 0 : i32
        %scan3A_33 = arith.constant 0 : i32
        %scan3A_34 = arith.constant 40 : i32
        %scan3A_35 = arith.addi %scan3A_33, %scan3A_34 : i32
        %scan3A_36 = arith.constant 1 : i32
        scf.for %scan3A_38 = %scan3A_33 to %scan3A_35 step %scan3A_36  : i32 {
          %mul3A = arith.constant 16 : i32
          %mul3A_39 = arith.muli %scan3A_38, %mul3A : i32
          %add3A = arith.constant 9360 : i32
          %add3A_40 = arith.addi %add3A, %mul3A_39 : i32
          %multiple_of3A = tpu.assume_multiple %add3A_40, 8 : i32
          "tpu.region"() ({
            %run_scoped3A = tpu.sem_alloc : memref<!tpu.dma_semaphore, #tpu.memory_space<semaphore_mem>>
            %dma_start3A = tpu.memref_slice %arg10[%multiple_of3A] : memref<10000xf32, #tpu.memory_space<vmem_shared>> -> memref<16xf32, #tpu.memory_space<vmem_shared>>
            %dma_start3A_41 = tpu.memref_slice %arg10[%multiple_of3A] : memref<10000xf32, #tpu.memory_space<vmem_shared>> -> memref<16xf32, #tpu.memory_space<vmem_shared>>
            tpu.enqueue_dma source(%dma_start3A_41 : memref<16xf32, #tpu.memory_space<vmem_shared>>) target(%arg9 : memref<16xf32, #tpu.memory_space<vmem>>) target_semaphore(%run_scoped3A : memref<!tpu.dma_semaphore, #tpu.memory_space<semaphore_mem>>)
            %dma_wait3A = tpu.memref_slice %arg10[%multiple_of3A] : memref<10000xf32, #tpu.memory_space<vmem_shared>> -> memref<16xf32, #tpu.memory_space<vmem_shared>>
            %dma_wait3A_42 = tpu.memref_slice %arg10[%multiple_of3A] : memref<10000xf32, #tpu.memory_space<vmem_shared>> -> memref<16xf32, #tpu.memory_space<vmem_shared>>
            tpu.wait_dma2 semaphore(%run_scoped3A : memref<!tpu.dma_semaphore, #tpu.memory_space<semaphore_mem>>) src(%dma_wait3A_42 : memref<16xf32, #tpu.memory_space<vmem_shared>>) dst(%arg9 : memref<16xf32, #tpu.memory_space<vmem>>)
            tpu.yield
          }) : () -> ()
          "tpu.region"() ({
            %run_scoped3A = tpu.sem_alloc : memref<!tpu.dma_semaphore, #tpu.memory_space<semaphore_mem>>
            %dma_start3A = tpu.memref_slice %arg6[%multiple_of3A] : memref<10000xf32, #tpu.memory_space<hbm>> -> memref<16xf32, #tpu.memory_space<hbm>>
            %dma_start3A_41 = tpu.memref_slice %arg6[%multiple_of3A] : memref<10000xf32, #tpu.memory_space<hbm>> -> memref<16xf32, #tpu.memory_space<hbm>>
            tpu.enqueue_dma source(%arg9 : memref<16xf32, #tpu.memory_space<vmem>>) target(%dma_start3A_41 : memref<16xf32, #tpu.memory_space<hbm>>) target_semaphore(%run_scoped3A : memref<!tpu.dma_semaphore, #tpu.memory_space<semaphore_mem>>)
            %dma_wait3A = tpu.memref_slice %arg6[%multiple_of3A] : memref<10000xf32, #tpu.memory_space<hbm>> -> memref<16xf32, #tpu.memory_space<hbm>>
            %dma_wait3A_42 = tpu.memref_slice %arg6[%multiple_of3A] : memref<10000xf32, #tpu.memory_space<hbm>> -> memref<16xf32, #tpu.memory_space<hbm>>
            tpu.wait_dma2 semaphore(%run_scoped3A : memref<!tpu.dma_semaphore, #tpu.memory_space<semaphore_mem>>) src(%arg9 : memref<16xf32, #tpu.memory_space<vmem>>) dst(%dma_wait3A_42 : memref<16xf32, #tpu.memory_space<hbm>>)
            tpu.yield
          }) : () -> ()
        }
        %scan3A_37 = arith.constant 40 : i32
      } else {
      }
    } else {
    }
    return
  }
}

#map = affine_map<(d0, d1) -> (0, 0, 0)>
#map1 = affine_map<(d0, d1) -> (0)>
#map2 = affine_map<(d0, d1) -> (0, 0)>
module attributes {stable_mosaic.version = 14 : i64} {
  func.func @prop_kernel(%arg0: i32, %arg1: i32, %arg2: memref<4x10000x128xf32, #tpu.memory_space<hbm>>, %arg3: memref<160000xi32, #tpu.memory_space<hbm>>, %arg4: memref<160000xi32, #tpu.memory_space<hbm>>, %arg5: memref<10000x128xf32, #tpu.memory_space<hbm>>, %arg6: memref<4x10000x128xf32, #tpu.memory_space<hbm>>, %arg7: memref<80xi32, #tpu.memory_space<vmem>>, %arg8: memref<80xi32, #tpu.memory_space<vmem>>, %arg9: memref<80xi32, #tpu.memory_space<vmem>>, %arg10: memref<80xi32, #tpu.memory_space<vmem>>, %arg11: memref<80xi32, #tpu.memory_space<vmem>>, %arg12: memref<80xi32, #tpu.memory_space<vmem>>, %arg13: memref<80xi32, #tpu.memory_space<vmem>>, %arg14: memref<80xi32, #tpu.memory_space<vmem>>, %arg15: memref<80x128xf32, #tpu.memory_space<vmem>>, %arg16: memref<80x128xf32, #tpu.memory_space<vmem>>, %arg17: memref<8x128xf32, #tpu.memory_space<vmem>>, %arg18: memref<10000x128xf32, #tpu.memory_space<vmem_shared>>, %arg19: memref<!tpu.dma_semaphore, #tpu.memory_space<semaphore_mem>>, %arg20: memref<!tpu.dma_semaphore, #tpu.memory_space<semaphore_mem>>, %arg21: memref<!tpu.dma_semaphore, #tpu.memory_space<semaphore_mem>>, %arg22: memref<!tpu.dma_semaphore, #tpu.memory_space<semaphore_mem>>, %arg23: memref<!tpu.dma_semaphore, #tpu.memory_space<semaphore_mem>>, %arg24: memref<!tpu.dma_semaphore, #tpu.memory_space<semaphore_mem>>, %arg25: memref<!tpu.dma_semaphore, #tpu.memory_space<semaphore_mem>>, %arg26: memref<!tpu.dma_semaphore, #tpu.memory_space<semaphore_mem>>) attributes {dimension_semantics = [#tpu.dimension_semantics<core_parallel>, #tpu.dimension_semantics<subcore_parallel>], iteration_bounds = array<i64: 2, 16>, scalar_prefetch = 0 : i64, scratch_operands = 20 : i64, tpu.core_type = #tpu.core_type<sc_vector_subcore>, window_params = [{transform_indices = #map}, {transform_indices = #map1}, {transform_indices = #map1}, {transform_indices = #map2}, {transform_indices = #map}]} {
    return
  }
}

#map = affine_map<(d0, d1) -> (0, 0, 0)>
#map1 = affine_map<(d0, d1) -> (0)>
#map2 = affine_map<(d0, d1) -> (0, 0)>
module attributes {stable_mosaic.version = 14 : i64} {
  func.func @prop_kernel(%arg0: i32, %arg1: i32, %arg2: memref<2x10000x32xf32, #tpu.memory_space<hbm>>, %arg3: memref<160000xi32, #tpu.memory_space<hbm>>, %arg4: memref<160000xi32, #tpu.memory_space<hbm>>, %arg5: memref<10000x32xf32, #tpu.memory_space<hbm>>, %arg6: memref<2x10000x32xf32, #tpu.memory_space<hbm>>, %arg7: memref<200xi32, #tpu.memory_space<vmem>>, %arg8: memref<200xi32, #tpu.memory_space<vmem>>, %arg9: memref<200xi32, #tpu.memory_space<vmem>>, %arg10: memref<200xi32, #tpu.memory_space<vmem>>, %arg11: memref<200xi32, #tpu.memory_space<vmem>>, %arg12: memref<200xi32, #tpu.memory_space<vmem>>, %arg13: memref<200xi32, #tpu.memory_space<vmem>>, %arg14: memref<200xi32, #tpu.memory_space<vmem>>, %arg15: memref<200x32xf32, #tpu.memory_space<vmem>>, %arg16: memref<200x32xf32, #tpu.memory_space<vmem>>, %arg17: memref<8x32xf32, #tpu.memory_space<vmem>>, %arg18: memref<10000x32xf32, #tpu.memory_space<vmem_shared>>, %arg19: memref<!tpu.dma_semaphore, #tpu.memory_space<semaphore_mem>>, %arg20: memref<!tpu.dma_semaphore, #tpu.memory_space<semaphore_mem>>, %arg21: memref<!tpu.dma_semaphore, #tpu.memory_space<semaphore_mem>>, %arg22: memref<!tpu.dma_semaphore, #tpu.memory_space<semaphore_mem>>, %arg23: memref<!tpu.dma_semaphore, #tpu.memory_space<semaphore_mem>>, %arg24: memref<!tpu.dma_semaphore, #tpu.memory_space<semaphore_mem>>, %arg25: memref<!tpu.dma_semaphore, #tpu.memory_space<semaphore_mem>>, %arg26: memref<!tpu.dma_semaphore, #tpu.memory_space<semaphore_mem>>) attributes {dimension_semantics = [#tpu.dimension_semantics<core_parallel>, #tpu.dimension_semantics<subcore_parallel>], iteration_bounds = array<i64: 2, 16>, scalar_prefetch = 0 : i64, scratch_operands = 20 : i64, tpu.core_type = #tpu.core_type<sc_vector_subcore>, window_params = [{transform_indices = #map}, {transform_indices = #map1}, {transform_indices = #map1}, {transform_indices = #map2}, {transform_indices = #map}]} {
    return
  }
}

#map = affine_map<(d0, d1) -> (0, 0, 0)>
#map1 = affine_map<(d0, d1) -> (0)>
#map2 = affine_map<(d0, d1) -> (0, 0)>
module attributes {stable_mosaic.version = 14 : i64} {
  func.func @prop_kernel(%arg0: i32, %arg1: i32, %arg2: memref<4x10000x128xf32, #tpu.memory_space<hbm>>, %arg3: memref<160000xi32, #tpu.memory_space<hbm>>, %arg4: memref<160000xi32, #tpu.memory_space<hbm>>, %arg5: memref<10000x128xf32, #tpu.memory_space<hbm>>, %arg6: memref<4x10000x128xf32, #tpu.memory_space<hbm>>, %arg7: memref<80xi32, #tpu.memory_space<vmem>>, %arg8: memref<80xi32, #tpu.memory_space<vmem>>, %arg9: memref<80xi32, #tpu.memory_space<vmem>>, %arg10: memref<80xi32, #tpu.memory_space<vmem>>, %arg11: memref<80xi32, #tpu.memory_space<vmem>>, %arg12: memref<80xi32, #tpu.memory_space<vmem>>, %arg13: memref<80xi32, #tpu.memory_space<vmem>>, %arg14: memref<80xi32, #tpu.memory_space<vmem>>, %arg15: memref<80x128xf32, #tpu.memory_space<vmem>>, %arg16: memref<80x128xf32, #tpu.memory_space<vmem>>, %arg17: memref<8x128xf32, #tpu.memory_space<vmem>>, %arg18: memref<10000x128xf32, #tpu.memory_space<vmem_shared>>, %arg19: memref<!tpu.dma_semaphore, #tpu.memory_space<semaphore_mem>>, %arg20: memref<!tpu.dma_semaphore, #tpu.memory_space<semaphore_mem>>, %arg21: memref<!tpu.dma_semaphore, #tpu.memory_space<semaphore_mem>>, %arg22: memref<!tpu.dma_semaphore, #tpu.memory_space<semaphore_mem>>, %arg23: memref<!tpu.dma_semaphore, #tpu.memory_space<semaphore_mem>>, %arg24: memref<!tpu.dma_semaphore, #tpu.memory_space<semaphore_mem>>, %arg25: memref<!tpu.dma_semaphore, #tpu.memory_space<semaphore_mem>>, %arg26: memref<!tpu.dma_semaphore, #tpu.memory_space<semaphore_mem>>) attributes {dimension_semantics = [#tpu.dimension_semantics<core_parallel>, #tpu.dimension_semantics<subcore_parallel>], iteration_bounds = array<i64: 2, 16>, scalar_prefetch = 0 : i64, scratch_operands = 20 : i64, tpu.core_type = #tpu.core_type<sc_vector_subcore>, window_params = [{transform_indices = #map}, {transform_indices = #map1}, {transform_indices = #map1}, {transform_indices = #map2}, {transform_indices = #map}]} {
    return
  }
}

module attributes {stable_mosaic.version = 14 : i64} {
  func.func @_dinv_kernel(%arg0: i32, %arg1: memref<2000x1xf32, #tpu.memory_space<vmem>>, %arg2: memref<2000x1xf32, #tpu.memory_space<vmem>>, %arg3: memref<2000x1xf32, #tpu.memory_space<vmem>>) attributes {dimension_semantics = [#tpu.dimension_semantics<arbitrary>], iteration_bounds = array<i64: 5>, scalar_prefetch = 0 : i64, scratch_operands = 0 : i64, tpu.core_type = #tpu.core_type<tc>, window_params = [{transform_indices = @transform_0, window_bounds = array<i64: 2000, 1>}, {transform_indices = @transform_1, window_bounds = array<i64: 2000, 1>}, {transform_indices = @transform_2, window_bounds = array<i64: 2000, 1>}]} {
    %get3A = arith.constant 0 : index
    %get3A_0 = arith.constant 0 : index
    %get3A_1 = vector.load %arg1[%get3A, %get3A_0] : memref<2000x1xf32, #tpu.memory_space<vmem>>, vector<2000x1xf32>
    %get3A_2 = arith.constant 0 : index
    %get3A_3 = arith.constant 0 : index
    %get3A_4 = vector.load %arg2[%get3A_2, %get3A_3] : memref<2000x1xf32, #tpu.memory_space<vmem>>, vector<2000x1xf32>
    %add3A = arith.addf %get3A_1, %get3A_4 : vector<2000x1xf32>
    %add3A_5 = arith.constant 1.000000e+00 : f32
    %add3A_6 = vector.broadcast %add3A_5 : f32 to vector<2000x1xf32>
    %add3A_7 = arith.addf %add3A, %add3A_6 : vector<2000x1xf32>
    %max3A = arith.constant 1.000000e+00 : f32
    %max3A_8 = vector.broadcast %max3A : f32 to vector<2000x1xf32>
    %max3A_9 = arith.maximumf %add3A_7, %max3A_8 : vector<2000x1xf32>
    %rsqrt3A = math.rsqrt %max3A_9 : vector<2000x1xf32>
    %swap3A = arith.constant 0 : index
    %swap3A_10 = arith.constant 0 : index
    %swap3A_11 = vector.load %arg3[%swap3A, %swap3A_10] : memref<2000x1xf32, #tpu.memory_space<vmem>>, vector<2000x1xf32>
    tpu.vector_store %arg3[%swap3A, %swap3A_10], %rsqrt3A {strides = array<i32>} : memref<2000x1xf32, #tpu.memory_space<vmem>>, vector<2000x1xf32>,
    return
  }
  func.func @transform_0(%arg0: i32) -> (i32, i32) {
    %c0_i32 = arith.constant 0 : i32
    %c0_i32_0 = arith.constant 0 : i32
    return %arg0, %c0_i32 : i32, i32
  }
  func.func @transform_1(%arg0: i32) -> (i32, i32) {
    %c0_i32 = arith.constant 0 : i32
    %c0_i32_0 = arith.constant 0 : i32
    return %arg0, %c0_i32 : i32, i32
  }
  func.func @transform_2(%arg0: i32) -> (i32, i32) {
    %c0_i32 = arith.constant 0 : i32
    %c0_i32_0 = arith.constant 0 : i32
    return %arg0, %c0_i32 : i32, i32
  }
}

module attributes {stable_mosaic.version = 14 : i64} {
  func.func @_mm0_kernel(%arg0: i32, %arg1: i32, %arg2: memref<2000x256xf32, #tpu.memory_space<vmem>>, %arg3: memref<256x128xf32, #tpu.memory_space<vmem>>, %arg4: memref<2000x1xf32, #tpu.memory_space<vmem>>, %arg5: memref<1x2000x128xf32, #tpu.memory_space<vmem>>) attributes {dimension_semantics = [#tpu.dimension_semantics<parallel>, #tpu.dimension_semantics<parallel>], iteration_bounds = array<i64: 5, 4>, scalar_prefetch = 0 : i64, scratch_operands = 0 : i64, tpu.core_type = #tpu.core_type<tc>, window_params = [{transform_indices = @transform_0, window_bounds = array<i64: 2000, 256>}, {transform_indices = @transform_1, window_bounds = array<i64: 256, 128>}, {transform_indices = @transform_2, window_bounds = array<i64: 2000, 1>}, {transform_indices = @transform_3, window_bounds = array<i64: 1, 2000, 128>}]} {
    %get3A = arith.constant 0 : index
    %get3A_0 = arith.constant 0 : index
    %get3A_1 = vector.load %arg2[%get3A, %get3A_0] : memref<2000x256xf32, #tpu.memory_space<vmem>>, vector<2000x256xf32>
    %get3A_2 = arith.constant 0 : index
    %get3A_3 = arith.constant 0 : index
    %get3A_4 = vector.load %arg3[%get3A_2, %get3A_3] : memref<256x128xf32, #tpu.memory_space<vmem>>, vector<256x128xf32>
    %dot_general3A = arith.constant dense<0.000000e+00> : vector<2000x128xf32>
    %dot_general3A_5 = tpu.matmul %get3A_1, %get3A_4, %dot_general3A {dimension_numbers = #tpu.dot_dimension_numbers<[1], [0], [0], [1], [0, 0, 1, 1], [], []>, transpose_lhs_hint = false} : vector<2000x256xf32>, vector<256x128xf32>, vector<2000x128xf32> -> vector<2000x128xf32>
    %get3A_6 = arith.constant 0 : index
    %get3A_7 = arith.constant 0 : index
    %get3A_8 = vector.load %arg4[%get3A_6, %get3A_7] : memref<2000x1xf32, #tpu.memory_space<vmem>>, vector<2000x1xf32>
    %mul3A = vector.broadcast %get3A_8 : vector<2000x1xf32> to vector<2000x128xf32>
    %mul3A_9 = arith.mulf %dot_general3A_5, %mul3A : vector<2000x128xf32>
    %swap3A = arith.constant 0 : index
    %swap3A_10 = arith.constant 0 : index
    %swap3A_11 = arith.constant 0 : index
    %swap3A_12 = vector.load %arg5[%swap3A, %swap3A_10, %swap3A_11] : memref<1x2000x128xf32, #tpu.memory_space<vmem>>, vector<1x2000x128xf32>
    %swap3A_13 = vector.shape_cast %swap3A_12 : vector<1x2000x128xf32> to vector<2000x128xf32>
    %swap3A_14 = vector.shape_cast %mul3A_9 : vector<2000x128xf32> to vector<1x2000x128xf32>
    tpu.vector_store %arg5[%swap3A, %swap3A_10, %swap3A_11], %swap3A_14 {strides = array<i32>} : memref<1x2000x128xf32, #tpu.memory_space<vmem>>, vector<1x2000x128xf32>,
    return
  }
  func.func @transform_0(%arg0: i32, %arg1: i32) -> (i32, i32) {
    %c0_i32 = arith.constant 0 : i32
    %c0_i32_0 = arith.constant 0 : i32
    return %arg0, %c0_i32 : i32, i32
  }
  func.func @transform_1(%arg0: i32, %arg1: i32) -> (i32, i32) {
    %c0_i32 = arith.constant 0 : i32
    %c0_i32_0 = arith.constant 0 : i32
    return %c0_i32, %arg1 : i32, i32
  }
  func.func @transform_2(%arg0: i32, %arg1: i32) -> (i32, i32) {
    %c0_i32 = arith.constant 0 : i32
    %c0_i32_0 = arith.constant 0 : i32
    return %arg0, %c0_i32 : i32, i32
  }
  func.func @transform_3(%arg0: i32, %arg1: i32) -> (i32, i32, i32) {
    %c0_i32 = arith.constant 0 : i32
    %c0_i32_0 = arith.constant 0 : i32
    return %arg1, %arg0, %c0_i32 : i32, i32, i32
  }
}

module attributes {stable_mosaic.version = 14 : i64} {
  func.func @_mm_mid_kernel(%arg0: i32, %arg1: i32, %arg2: i32, %arg3: memref<1x2000x128xf32, #tpu.memory_space<vmem>>, %arg4: memref<1x2000x128xf32, #tpu.memory_space<vmem>>, %arg5: memref<1x1x128xf32, #tpu.memory_space<vmem>>, %arg6: memref<2000x1xf32, #tpu.memory_space<vmem>>, %arg7: memref<128x128xf32, #tpu.memory_space<vmem>>, %arg8: memref<1x2000x128xf32, #tpu.memory_space<vmem>>) attributes {dimension_semantics = [#tpu.dimension_semantics<parallel>, #tpu.dimension_semantics<parallel>, #tpu.dimension_semantics<arbitrary>], iteration_bounds = array<i64: 5, 4, 4>, scalar_prefetch = 0 : i64, scratch_operands = 0 : i64, tpu.core_type = #tpu.core_type<tc>, window_params = [{transform_indices = @transform_0, window_bounds = array<i64: 1, 2000, 128>}, {transform_indices = @transform_1, window_bounds = array<i64: 1, 2000, 128>}, {transform_indices = @transform_2, window_bounds = array<i64: 1, 1, 128>}, {transform_indices = @transform_3, window_bounds = array<i64: 2000, 1>}, {transform_indices = @transform_4, window_bounds = array<i64: 128, 128>}, {transform_indices = @transform_5, window_bounds = array<i64: 1, 2000, 128>}]} {
    %get3A = arith.constant 0 : index
    %get3A_0 = arith.constant 0 : index
    %get3A_1 = vector.load %arg6[%get3A, %get3A_0] : memref<2000x1xf32, #tpu.memory_space<vmem>>, vector<2000x1xf32>
    %get3A_2 = arith.constant 0 : index
    %get3A_3 = arith.constant 0 : index
    %get3A_4 = arith.constant 0 : index
    %get3A_5 = vector.load %arg3[%get3A_2, %get3A_3, %get3A_4] : memref<1x2000x128xf32, #tpu.memory_space<vmem>>, vector<1x2000x128xf32>
    %get3A_6 = vector.shape_cast %get3A_5 : vector<1x2000x128xf32> to vector<2000x128xf32>
    %get3A_7 = arith.constant 0 : index
    %get3A_8 = arith.constant 0 : index
    %get3A_9 = arith.constant 0 : index
    %get3A_10 = vector.load %arg4[%get3A_7, %get3A_8, %get3A_9] : memref<1x2000x128xf32, #tpu.memory_space<vmem>>, vector<1x2000x128xf32>
    %get3A_11 = vector.shape_cast %get3A_10 : vector<1x2000x128xf32> to vector<2000x128xf32>
    %add3A = arith.addf %get3A_6, %get3A_11 : vector<2000x128xf32>
    %mul3A = vector.broadcast %get3A_1 : vector<2000x1xf32> to vector<2000x128xf32>
    %mul3A_12 = arith.mulf %mul3A, %add3A : vector<2000x128xf32>
    %get3A_13 = arith.constant 0 : index
    %get3A_14 = arith.constant 0 : index
    %get3A_15 = arith.constant 0 : index
    %get3A_16 = vector.load %arg5[%get3A_13, %get3A_14, %get3A_15] : memref<1x1x128xf32, #tpu.memory_space<vmem>>, vector<1x1x128xf32>
    %get3A_17 = vector.shape_cast %get3A_16 : vector<1x1x128xf32> to vector<1x128xf32>
    %add3A_18 = vector.broadcast %get3A_17 : vector<1x128xf32> to vector<2000x128xf32>
    %add3A_19 = arith.addf %mul3A_12, %add3A_18 : vector<2000x128xf32>
    %max3A = arith.constant 0.000000e+00 : f32
    %max3A_20 = vector.broadcast %max3A : f32 to vector<2000x128xf32>
    %max3A_21 = arith.maximumf %add3A_19, %max3A_20 : vector<2000x128xf32>
    %get3A_22 = arith.constant 0 : index
    %get3A_23 = arith.constant 0 : index
    %get3A_24 = vector.load %arg7[%get3A_22, %get3A_23] : memref<128x128xf32, #tpu.memory_space<vmem>>, vector<128x128xf32>
    %dot_general3A = arith.constant dense<0.000000e+00> : vector<2000x128xf32>
    %dot_general3A_25 = tpu.matmul %max3A_21, %get3A_24, %dot_general3A {dimension_numbers = #tpu.dot_dimension_numbers<[1], [0], [0], [1], [0, 0, 1, 1], [], []>, transpose_lhs_hint = false} : vector<2000x128xf32>, vector<128x128xf32>, vector<2000x128xf32> -> vector<2000x128xf32>
    %eq3A = arith.constant 0 : i32
    %eq3A_26 = arith.cmpi eq, %arg2, %eq3A : i32
    %convert_element_type3A = arith.extui %eq3A_26 : i1 to i32
    %cond3A = arith.constant 0 : i32
    %cond3A_27 = arith.cmpi ne, %convert_element_type3A, %cond3A : i32
    scf.if %cond3A_27 {
      %swap3A = arith.constant 0 : index
      %swap3A_37 = arith.constant 0 : index
      %swap3A_38 = arith.constant 0 : index
      %swap3A_39 = vector.load %arg8[%swap3A, %swap3A_37, %swap3A_38] : memref<1x2000x128xf32, #tpu.memory_space<vmem>>, vector<1x2000x128xf32>
      %swap3A_40 = vector.shape_cast %swap3A_39 : vector<1x2000x128xf32> to vector<2000x128xf32>
      %swap3A_41 = vector.shape_cast %dot_general3A_25 : vector<2000x128xf32> to vector<1x2000x128xf32>
      tpu.vector_store %arg8[%swap3A, %swap3A_37, %swap3A_38], %swap3A_41 {strides = array<i32>} : memref<1x2000x128xf32, #tpu.memory_space<vmem>>, vector<1x2000x128xf32>,
    } else {
    }
    %ne3A = arith.constant 0 : i32
    %ne3A_28 = arith.cmpi ne, %arg2, %ne3A : i32
    %convert_element_type3A_29 = arith.extui %ne3A_28 : i1 to i32
    %cond3A_30 = arith.constant 0 : i32
    %cond3A_31 = arith.cmpi ne, %convert_element_type3A_29, %cond3A_30 : i32
    scf.if %cond3A_31 {
      %get3A_37 = arith.constant 0 : index
      %get3A_38 = arith.constant 0 : index
      %get3A_39 = arith.constant 0 : index
      %get3A_40 = vector.load %arg8[%get3A_37, %get3A_38, %get3A_39] : memref<1x2000x128xf32, #tpu.memory_space<vmem>>, vector<1x2000x128xf32>
      %get3A_41 = vector.shape_cast %get3A_40 : vector<1x2000x128xf32> to vector<2000x128xf32>
      %add3A_42 = arith.addf %get3A_41, %dot_general3A_25 : vector<2000x128xf32>
      %swap3A = arith.constant 0 : index
      %swap3A_43 = arith.constant 0 : index
      %swap3A_44 = arith.constant 0 : index
      %swap3A_45 = vector.load %arg8[%swap3A, %swap3A_43, %swap3A_44] : memref<1x2000x128xf32, #tpu.memory_space<vmem>>, vector<1x2000x128xf32>
      %swap3A_46 = vector.shape_cast %swap3A_45 : vector<1x2000x128xf32> to vector<2000x128xf32>
      %swap3A_47 = vector.shape_cast %add3A_42 : vector<2000x128xf32> to vector<1x2000x128xf32>
      tpu.vector_store %arg8[%swap3A, %swap3A_43, %swap3A_44], %swap3A_47 {strides = array<i32>} : memref<1x2000x128xf32, #tpu.memory_space<vmem>>, vector<1x2000x128xf32>,
    } else {
    }
    %eq3A_32 = arith.constant 3 : i32
    %eq3A_33 = arith.cmpi eq, %arg2, %eq3A_32 : i32
    %convert_element_type3A_34 = arith.extui %eq3A_33 : i1 to i32
    %cond3A_35 = arith.constant 0 : i32
    %cond3A_36 = arith.cmpi ne, %convert_element_type3A_34, %cond3A_35 : i32
    scf.if %cond3A_36 {
      %get3A_37 = arith.constant 0 : index
      %get3A_38 = arith.constant 0 : index
      %get3A_39 = arith.constant 0 : index
      %get3A_40 = vector.load %arg8[%get3A_37, %get3A_38, %get3A_39] : memref<1x2000x128xf32, #tpu.memory_space<vmem>>, vector<1x2000x128xf32>
      %get3A_41 = vector.shape_cast %get3A_40 : vector<1x2000x128xf32> to vector<2000x128xf32>
      %get3A_42 = arith.constant 0 : index
      %get3A_43 = arith.constant 0 : index
      %get3A_44 = vector.load %arg6[%get3A_42, %get3A_43] : memref<2000x1xf32, #tpu.memory_space<vmem>>, vector<2000x1xf32>
      %mul3A_45 = vector.broadcast %get3A_44 : vector<2000x1xf32> to vector<2000x128xf32>
      %mul3A_46 = arith.mulf %get3A_41, %mul3A_45 : vector<2000x128xf32>
      %swap3A = arith.constant 0 : index
      %swap3A_47 = arith.constant 0 : index
      %swap3A_48 = arith.constant 0 : index
      %swap3A_49 = vector.load %arg8[%swap3A, %swap3A_47, %swap3A_48] : memref<1x2000x128xf32, #tpu.memory_space<vmem>>, vector<1x2000x128xf32>
      %swap3A_50 = vector.shape_cast %swap3A_49 : vector<1x2000x128xf32> to vector<2000x128xf32>
      %swap3A_51 = vector.shape_cast %mul3A_46 : vector<2000x128xf32> to vector<1x2000x128xf32>
      tpu.vector_store %arg8[%swap3A, %swap3A_47, %swap3A_48], %swap3A_51 {strides = array<i32>} : memref<1x2000x128xf32, #tpu.memory_space<vmem>>, vector<1x2000x128xf32>,
    } else {
    }
    return
  }
  func.func @transform_0(%arg0: i32, %arg1: i32, %arg2: i32) -> (i32, i32, i32) {
    %c0_i32 = arith.constant 0 : i32
    %c0_i32_0 = arith.constant 0 : i32
    return %arg2, %arg0, %c0_i32 : i32, i32, i32
  }
  func.func @transform_1(%arg0: i32, %arg1: i32, %arg2: i32) -> (i32, i32, i32) {
    %c0_i32 = arith.constant 0 : i32
    %c0_i32_0 = arith.constant 0 : i32
    return %arg2, %arg0, %c0_i32 : i32, i32, i32
  }
  func.func @transform_2(%arg0: i32, %arg1: i32, %arg2: i32) -> (i32, i32, i32) {
    %c0_i32 = arith.constant 0 : i32
    %c0_i32_0 = arith.constant 0 : i32
    %c0_i32_1 = arith.constant 0 : i32
    return %arg2, %c0_i32, %c0_i32_0 : i32, i32, i32
  }
  func.func @transform_3(%arg0: i32, %arg1: i32, %arg2: i32) -> (i32, i32) {
    %c0_i32 = arith.constant 0 : i32
    %c0_i32_0 = arith.constant 0 : i32
    return %arg0, %c0_i32 : i32, i32
  }
  func.func @transform_4(%arg0: i32, %arg1: i32, %arg2: i32) -> (i32, i32) {
    %c0_i32 = arith.constant 0 : i32
    return %arg2, %arg1 : i32, i32
  }
  func.func @transform_5(%arg0: i32, %arg1: i32, %arg2: i32) -> (i32, i32, i32) {
    %c0_i32 = arith.constant 0 : i32
    %c0_i32_0 = arith.constant 0 : i32
    return %arg1, %arg0, %c0_i32 : i32, i32, i32
  }
}

module attributes {stable_mosaic.version = 14 : i64} {
  func.func @_mm_narrow_kernel(%arg0: i32, %arg1: i32, %arg2: memref<1x2000x128xf32, #tpu.memory_space<vmem>>, %arg3: memref<1x2000x128xf32, #tpu.memory_space<vmem>>, %arg4: memref<1x1x128xf32, #tpu.memory_space<vmem>>, %arg5: memref<2000x1xf32, #tpu.memory_space<vmem>>, %arg6: memref<128x64xf32, #tpu.memory_space<vmem>>, %arg7: memref<2x2000x32xf32, #tpu.memory_space<vmem>>) attributes {dimension_semantics = [#tpu.dimension_semantics<parallel>, #tpu.dimension_semantics<arbitrary>], iteration_bounds = array<i64: 5, 4>, scalar_prefetch = 0 : i64, scratch_operands = 0 : i64, tpu.core_type = #tpu.core_type<tc>, window_params = [{transform_indices = @transform_0, window_bounds = array<i64: 1, 2000, 128>}, {transform_indices = @transform_1, window_bounds = array<i64: 1, 2000, 128>}, {transform_indices = @transform_2, window_bounds = array<i64: 1, 1, 128>}, {transform_indices = @transform_3, window_bounds = array<i64: 2000, 1>}, {transform_indices = @transform_4, window_bounds = array<i64: 128, 64>}, {transform_indices = @transform_5, window_bounds = array<i64: 2, 2000, 32>}]} {
    %get3A = arith.constant 0 : index
    %get3A_0 = arith.constant 0 : index
    %get3A_1 = vector.load %arg5[%get3A, %get3A_0] : memref<2000x1xf32, #tpu.memory_space<vmem>>, vector<2000x1xf32>
    %get3A_2 = arith.constant 0 : index
    %get3A_3 = arith.constant 0 : index
    %get3A_4 = arith.constant 0 : index
    %get3A_5 = vector.load %arg2[%get3A_2, %get3A_3, %get3A_4] : memref<1x2000x128xf32, #tpu.memory_space<vmem>>, vector<1x2000x128xf32>
    %get3A_6 = vector.shape_cast %get3A_5 : vector<1x2000x128xf32> to vector<2000x128xf32>
    %get3A_7 = arith.constant 0 : index
    %get3A_8 = arith.constant 0 : index
    %get3A_9 = arith.constant 0 : index
    %get3A_10 = vector.load %arg3[%get3A_7, %get3A_8, %get3A_9] : memref<1x2000x128xf32, #tpu.memory_space<vmem>>, vector<1x2000x128xf32>
    %get3A_11 = vector.shape_cast %get3A_10 : vector<1x2000x128xf32> to vector<2000x128xf32>
    %add3A = arith.addf %get3A_6, %get3A_11 : vector<2000x128xf32>
    %mul3A = vector.broadcast %get3A_1 : vector<2000x1xf32> to vector<2000x128xf32>
    %mul3A_12 = arith.mulf %mul3A, %add3A : vector<2000x128xf32>
    %get3A_13 = arith.constant 0 : index
    %get3A_14 = arith.constant 0 : index
    %get3A_15 = arith.constant 0 : index
    %get3A_16 = vector.load %arg4[%get3A_13, %get3A_14, %get3A_15] : memref<1x1x128xf32, #tpu.memory_space<vmem>>, vector<1x1x128xf32>
    %get3A_17 = vector.shape_cast %get3A_16 : vector<1x1x128xf32> to vector<1x128xf32>
    %add3A_18 = vector.broadcast %get3A_17 : vector<1x128xf32> to vector<2000x128xf32>
    %add3A_19 = arith.addf %mul3A_12, %add3A_18 : vector<2000x128xf32>
    %max3A = arith.constant 0.000000e+00 : f32
    %max3A_20 = vector.broadcast %max3A : f32 to vector<2000x128xf32>
    %max3A_21 = arith.maximumf %add3A_19, %max3A_20 : vector<2000x128xf32>
    %get3A_22 = arith.constant 0 : index
    %get3A_23 = arith.constant 0 : index
    %get3A_24 = vector.load %arg6[%get3A_22, %get3A_23] : memref<128x64xf32, #tpu.memory_space<vmem>>, vector<128x64xf32>
    %dot_general3A = arith.constant dense<0.000000e+00> : vector<2000x64xf32>
    %dot_general3A_25 = tpu.matmul %max3A_21, %get3A_24, %dot_general3A {dimension_numbers = #tpu.dot_dimension_numbers<[1], [0], [0], [1], [0, 0, 1, 1], [], []>, transpose_lhs_hint = false} : vector<2000x128xf32>, vector<128x64xf32>, vector<2000x64xf32> -> vector<2000x64xf32>
    %eq3A = arith.constant 0 : i32
    %eq3A_26 = arith.cmpi eq, %arg1, %eq3A : i32
    %convert_element_type3A = arith.extui %eq3A_26 : i1 to i32
    %cond3A = arith.constant 0 : i32
    %cond3A_27 = arith.cmpi ne, %convert_element_type3A, %cond3A : i32
    scf.if %cond3A_27 {
      %slice3A = vector.extract_strided_slice %dot_general3A_25 {offsets = [0, 0], sizes = [2000, 32], strides = [1, 1]} : vector<2000x64xf32> to vector<2000x32xf32>
      %swap3A = arith.constant 0 : index
      %swap3A_37 = arith.constant 0 : index
      %swap3A_38 = arith.constant 0 : index
      %swap3A_39 = vector.load %arg7[%swap3A, %swap3A_37, %swap3A_38] : memref<2x2000x32xf32, #tpu.memory_space<vmem>>, vector<1x2000x32xf32>
      %swap3A_40 = vector.shape_cast %swap3A_39 : vector<1x2000x32xf32> to vector<2000x32xf32>
      %swap3A_41 = vector.shape_cast %slice3A : vector<2000x32xf32> to vector<1x2000x32xf32>
      tpu.vector_store %arg7[%swap3A, %swap3A_37, %swap3A_38], %swap3A_41 {strides = array<i32>} : memref<2x2000x32xf32, #tpu.memory_space<vmem>>, vector<1x2000x32xf32>,
      %slice3A_42 = vector.extract_strided_slice %dot_general3A_25 {offsets = [0, 32], sizes = [2000, 32], strides = [1, 1]} : vector<2000x64xf32> to vector<2000x32xf32>
      %swap3A_43 = arith.constant 1 : index
      %swap3A_44 = arith.constant 0 : index
      %swap3A_45 = arith.constant 0 : index
      %swap3A_46 = vector.load %arg7[%swap3A_43, %swap3A_44, %swap3A_45] : memref<2x2000x32xf32, #tpu.memory_space<vmem>>, vector<1x2000x32xf32>
      %swap3A_47 = vector.shape_cast %swap3A_46 : vector<1x2000x32xf32> to vector<2000x32xf32>
      %swap3A_48 = vector.shape_cast %slice3A_42 : vector<2000x32xf32> to vector<1x2000x32xf32>
      tpu.vector_store %arg7[%swap3A_43, %swap3A_44, %swap3A_45], %swap3A_48 {strides = array<i32>} : memref<2x2000x32xf32, #tpu.memory_space<vmem>>, vector<1x2000x32xf32>,
    } else {
    }
    %ne3A = arith.constant 0 : i32
    %ne3A_28 = arith.cmpi ne, %arg1, %ne3A : i32
    %convert_element_type3A_29 = arith.extui %ne3A_28 : i1 to i32
    %cond3A_30 = arith.constant 0 : i32
    %cond3A_31 = arith.cmpi ne, %convert_element_type3A_29, %cond3A_30 : i32
    scf.if %cond3A_31 {
      %get3A_37 = arith.constant 0 : index
      %get3A_38 = arith.constant 0 : index
      %get3A_39 = arith.constant 0 : index
      %get3A_40 = vector.load %arg7[%get3A_37, %get3A_38, %get3A_39] : memref<2x2000x32xf32, #tpu.memory_space<vmem>>, vector<1x2000x32xf32>
      %get3A_41 = vector.shape_cast %get3A_40 : vector<1x2000x32xf32> to vector<2000x32xf32>
      %slice3A = vector.extract_strided_slice %dot_general3A_25 {offsets = [0, 0], sizes = [2000, 32], strides = [1, 1]} : vector<2000x64xf32> to vector<2000x32xf32>
      %add3A_42 = arith.addf %get3A_41, %slice3A : vector<2000x32xf32>
      %swap3A = arith.constant 0 : index
      %swap3A_43 = arith.constant 0 : index
      %swap3A_44 = arith.constant 0 : index
      %swap3A_45 = vector.load %arg7[%swap3A, %swap3A_43, %swap3A_44] : memref<2x2000x32xf32, #tpu.memory_space<vmem>>, vector<1x2000x32xf32>
      %swap3A_46 = vector.shape_cast %swap3A_45 : vector<1x2000x32xf32> to vector<2000x32xf32>
      %swap3A_47 = vector.shape_cast %add3A_42 : vector<2000x32xf32> to vector<1x2000x32xf32>
      tpu.vector_store %arg7[%swap3A, %swap3A_43, %swap3A_44], %swap3A_47 {strides = array<i32>} : memref<2x2000x32xf32, #tpu.memory_space<vmem>>, vector<1x2000x32xf32>,
      %get3A_48 = arith.constant 1 : index
      %get3A_49 = arith.constant 0 : index
      %get3A_50 = arith.constant 0 : index
      %get3A_51 = vector.load %arg7[%get3A_48, %get3A_49, %get3A_50] : memref<2x2000x32xf32, #tpu.memory_space<vmem>>, vector<1x2000x32xf32>
      %get3A_52 = vector.shape_cast %get3A_51 : vector<1x2000x32xf32> to vector<2000x32xf32>
      %slice3A_53 = vector.extract_strided_slice %dot_general3A_25 {offsets = [0, 32], sizes = [2000, 32], strides = [1, 1]} : vector<2000x64xf32> to vector<2000x32xf32>
      %add3A_54 = arith.addf %get3A_52, %slice3A_53 : vector<2000x32xf32>
      %swap3A_55 = arith.constant 1 : index
      %swap3A_56 = arith.constant 0 : index
      %swap3A_57 = arith.constant 0 : index
      %swap3A_58 = vector.load %arg7[%swap3A_55, %swap3A_56, %swap3A_57] : memref<2x2000x32xf32, #tpu.memory_space<vmem>>, vector<1x2000x32xf32>
      %swap3A_59 = vector.shape_cast %swap3A_58 : vector<1x2000x32xf32> to vector<2000x32xf32>
      %swap3A_60 = vector.shape_cast %add3A_54 : vector<2000x32xf32> to vector<1x2000x32xf32>
      tpu.vector_store %arg7[%swap3A_55, %swap3A_56, %swap3A_57], %swap3A_60 {strides = array<i32>} : memref<2x2000x32xf32, #tpu.memory_space<vmem>>, vector<1x2000x32xf32>,
    } else {
    }
    %eq3A_32 = arith.constant 3 : i32
    %eq3A_33 = arith.cmpi eq, %arg1, %eq3A_32 : i32
    %convert_element_type3A_34 = arith.extui %eq3A_33 : i1 to i32
    %cond3A_35 = arith.constant 0 : i32
    %cond3A_36 = arith.cmpi ne, %convert_element_type3A_34, %cond3A_35 : i32
    scf.if %cond3A_36 {
      %get3A_37 = arith.constant 0 : index
      %get3A_38 = arith.constant 0 : index
      %get3A_39 = arith.constant 0 : index
      %get3A_40 = vector.load %arg7[%get3A_37, %get3A_38, %get3A_39] : memref<2x2000x32xf32, #tpu.memory_space<vmem>>, vector<1x2000x32xf32>
      %get3A_41 = vector.shape_cast %get3A_40 : vector<1x2000x32xf32> to vector<2000x32xf32>
      %get3A_42 = arith.constant 0 : index
      %get3A_43 = arith.constant 0 : index
      %get3A_44 = vector.load %arg5[%get3A_42, %get3A_43] : memref<2000x1xf32, #tpu.memory_space<vmem>>, vector<2000x1xf32>
      %mul3A_45 = vector.broadcast %get3A_44 : vector<2000x1xf32> to vector<2000x32xf32>
      %mul3A_46 = arith.mulf %get3A_41, %mul3A_45 : vector<2000x32xf32>
      %swap3A = arith.constant 0 : index
      %swap3A_47 = arith.constant 0 : index
      %swap3A_48 = arith.constant 0 : index
      %swap3A_49 = vector.load %arg7[%swap3A, %swap3A_47, %swap3A_48] : memref<2x2000x32xf32, #tpu.memory_space<vmem>>, vector<1x2000x32xf32>
      %swap3A_50 = vector.shape_cast %swap3A_49 : vector<1x2000x32xf32> to vector<2000x32xf32>
      %swap3A_51 = vector.shape_cast %mul3A_46 : vector<2000x32xf32> to vector<1x2000x32xf32>
      tpu.vector_store %arg7[%swap3A, %swap3A_47, %swap3A_48], %swap3A_51 {strides = array<i32>} : memref<2x2000x32xf32, #tpu.memory_space<vmem>>, vector<1x2000x32xf32>,
      %get3A_52 = arith.constant 1 : index
      %get3A_53 = arith.constant 0 : index
      %get3A_54 = arith.constant 0 : index
      %get3A_55 = vector.load %arg7[%get3A_52, %get3A_53, %get3A_54] : memref<2x2000x32xf32, #tpu.memory_space<vmem>>, vector<1x2000x32xf32>
      %get3A_56 = vector.shape_cast %get3A_55 : vector<1x2000x32xf32> to vector<2000x32xf32>
      %get3A_57 = arith.constant 0 : index
      %get3A_58 = arith.constant 0 : index
      %get3A_59 = vector.load %arg5[%get3A_57, %get3A_58] : memref<2000x1xf32, #tpu.memory_space<vmem>>, vector<2000x1xf32>
      %mul3A_60 = vector.broadcast %get3A_59 : vector<2000x1xf32> to vector<2000x32xf32>
      %mul3A_61 = arith.mulf %get3A_56, %mul3A_60 : vector<2000x32xf32>
      %swap3A_62 = arith.constant 1 : index
      %swap3A_63 = arith.constant 0 : index
      %swap3A_64 = arith.constant 0 : index
      %swap3A_65 = vector.load %arg7[%swap3A_62, %swap3A_63, %swap3A_64] : memref<2x2000x32xf32, #tpu.memory_space<vmem>>, vector<1x2000x32xf32>
      %swap3A_66 = vector.shape_cast %swap3A_65 : vector<1x2000x32xf32> to vector<2000x32xf32>
      %swap3A_67 = vector.shape_cast %mul3A_61 : vector<2000x32xf32> to vector<1x2000x32xf32>
      tpu.vector_store %arg7[%swap3A_62, %swap3A_63, %swap3A_64], %swap3A_67 {strides = array<i32>} : memref<2x2000x32xf32, #tpu.memory_space<vmem>>, vector<1x2000x32xf32>,
    } else {
    }
    return
  }
  func.func @transform_0(%arg0: i32, %arg1: i32) -> (i32, i32, i32) {
    %c0_i32 = arith.constant 0 : i32
    %c0_i32_0 = arith.constant 0 : i32
    return %arg1, %arg0, %c0_i32 : i32, i32, i32
  }
  func.func @transform_1(%arg0: i32, %arg1: i32) -> (i32, i32, i32) {
    %c0_i32 = arith.constant 0 : i32
    %c0_i32_0 = arith.constant 0 : i32
    return %arg1, %arg0, %c0_i32 : i32, i32, i32
  }
  func.func @transform_2(%arg0: i32, %arg1: i32) -> (i32, i32, i32) {
    %c0_i32 = arith.constant 0 : i32
    %c0_i32_0 = arith.constant 0 : i32
    %c0_i32_1 = arith.constant 0 : i32
    return %arg1, %c0_i32, %c0_i32_0 : i32, i32, i32
  }
  func.func @transform_3(%arg0: i32, %arg1: i32) -> (i32, i32) {
    %c0_i32 = arith.constant 0 : i32
    %c0_i32_0 = arith.constant 0 : i32
    return %arg0, %c0_i32 : i32, i32
  }
  func.func @transform_4(%arg0: i32, %arg1: i32) -> (i32, i32) {
    %c0_i32 = arith.constant 0 : i32
    %c0_i32_0 = arith.constant 0 : i32
    return %arg1, %c0_i32 : i32, i32
  }
  func.func @transform_5(%arg0: i32, %arg1: i32) -> (i32, i32, i32) {
    %c0_i32 = arith.constant 0 : i32
    %c0_i32_0 = arith.constant 0 : i32
    %c0_i32_1 = arith.constant 0 : i32
    return %c0_i32, %arg0, %c0_i32_0 : i32, i32, i32
  }
}

module attributes {stable_mosaic.version = 14 : i64} {
  func.func @_final_kernel(%arg0: i32, %arg1: memref<2x2000x32xf32, #tpu.memory_space<vmem>>, %arg2: memref<2x2000x32xf32, #tpu.memory_space<vmem>>, %arg3: memref<2x1x32xf32, #tpu.memory_space<vmem>>, %arg4: memref<2000x1xf32, #tpu.memory_space<vmem>>, %arg5: memref<2000x64xf32, #tpu.memory_space<vmem>>) attributes {dimension_semantics = [#tpu.dimension_semantics<arbitrary>], iteration_bounds = array<i64: 5>, scalar_prefetch = 0 : i64, scratch_operands = 0 : i64, tpu.core_type = #tpu.core_type<tc>, window_params = [{transform_indices = @transform_0, window_bounds = array<i64: 2, 2000, 32>}, {transform_indices = @transform_1, window_bounds = array<i64: 2, 2000, 32>}, {pipeline_mode = #tpu.pipeline_mode<synchronous>, transform_indices = @transform_2, window_bounds = array<i64: 2, 1, 32>}, {transform_indices = @transform_3, window_bounds = array<i64: 2000, 1>}, {transform_indices = @transform_4, window_bounds = array<i64: 2000, 64>}]} {
    %get3A = arith.constant 0 : index
    %get3A_0 = arith.constant 0 : index
    %get3A_1 = vector.load %arg4[%get3A, %get3A_0] : memref<2000x1xf32, #tpu.memory_space<vmem>>, vector<2000x1xf32>
    %get3A_2 = arith.constant 0 : index
    %get3A_3 = arith.constant 0 : index
    %get3A_4 = arith.constant 0 : index
    %get3A_5 = vector.load %arg1[%get3A_2, %get3A_3, %get3A_4] : memref<2x2000x32xf32, #tpu.memory_space<vmem>>, vector<1x2000x32xf32>
    %get3A_6 = vector.shape_cast %get3A_5 : vector<1x2000x32xf32> to vector<2000x32xf32>
    %get3A_7 = arith.constant 0 : index
    %get3A_8 = arith.constant 0 : index
    %get3A_9 = arith.constant 0 : index
    %get3A_10 = vector.load %arg2[%get3A_7, %get3A_8, %get3A_9] : memref<2x2000x32xf32, #tpu.memory_space<vmem>>, vector<1x2000x32xf32>
    %get3A_11 = vector.shape_cast %get3A_10 : vector<1x2000x32xf32> to vector<2000x32xf32>
    %add3A = arith.addf %get3A_6, %get3A_11 : vector<2000x32xf32>
    %mul3A = vector.broadcast %get3A_1 : vector<2000x1xf32> to vector<2000x32xf32>
    %mul3A_12 = arith.mulf %mul3A, %add3A : vector<2000x32xf32>
    %get3A_13 = arith.constant 0 : index
    %get3A_14 = arith.constant 0 : index
    %get3A_15 = arith.constant 0 : index
    %get3A_16 = vector.load %arg3[%get3A_13, %get3A_14, %get3A_15] : memref<2x1x32xf32, #tpu.memory_space<vmem>>, vector<1x1x32xf32>
    %get3A_17 = vector.shape_cast %get3A_16 : vector<1x1x32xf32> to vector<1x32xf32>
    %add3A_18 = vector.broadcast %get3A_17 : vector<1x32xf32> to vector<2000x32xf32>
    %add3A_19 = arith.addf %mul3A_12, %add3A_18 : vector<2000x32xf32>
    %get3A_20 = arith.constant 1 : index
    %get3A_21 = arith.constant 0 : index
    %get3A_22 = arith.constant 0 : index
    %get3A_23 = vector.load %arg1[%get3A_20, %get3A_21, %get3A_22] : memref<2x2000x32xf32, #tpu.memory_space<vmem>>, vector<1x2000x32xf32>
    %get3A_24 = vector.shape_cast %get3A_23 : vector<1x2000x32xf32> to vector<2000x32xf32>
    %get3A_25 = arith.constant 1 : index
    %get3A_26 = arith.constant 0 : index
    %get3A_27 = arith.constant 0 : index
    %get3A_28 = vector.load %arg2[%get3A_25, %get3A_26, %get3A_27] : memref<2x2000x32xf32, #tpu.memory_space<vmem>>, vector<1x2000x32xf32>
    %get3A_29 = vector.shape_cast %get3A_28 : vector<1x2000x32xf32> to vector<2000x32xf32>
    %add3A_30 = arith.addf %get3A_24, %get3A_29 : vector<2000x32xf32>
    %mul3A_31 = vector.broadcast %get3A_1 : vector<2000x1xf32> to vector<2000x32xf32>
    %mul3A_32 = arith.mulf %mul3A_31, %add3A_30 : vector<2000x32xf32>
    %get3A_33 = arith.constant 1 : index
    %get3A_34 = arith.constant 0 : index
    %get3A_35 = arith.constant 0 : index
    %get3A_36 = vector.load %arg3[%get3A_33, %get3A_34, %get3A_35] : memref<2x1x32xf32, #tpu.memory_space<vmem>>, vector<1x1x32xf32>
    %get3A_37 = vector.shape_cast %get3A_36 : vector<1x1x32xf32> to vector<1x32xf32>
    %add3A_38 = vector.broadcast %get3A_37 : vector<1x32xf32> to vector<2000x32xf32>
    %add3A_39 = arith.addf %mul3A_32, %add3A_38 : vector<2000x32xf32>
    %concatenate3A = tpu.concatenate %add3A_19, %add3A_39 in 1 : vector<2000x32xf32>, vector<2000x32xf32> -> vector<2000x64xf32>
    %swap3A = arith.constant 0 : index
    %swap3A_40 = arith.constant 0 : index
    %swap3A_41 = vector.load %arg5[%swap3A, %swap3A_40] : memref<2000x64xf32, #tpu.memory_space<vmem>>, vector<2000x64xf32>
    tpu.vector_store %arg5[%swap3A, %swap3A_40], %concatenate3A {strides = array<i32>} : memref<2000x64xf32, #tpu.memory_space<vmem>>, vector<2000x64xf32>,
    return
  }
  func.func @transform_0(%arg0: i32) -> (i32, i32, i32) {
    %c0_i32 = arith.constant 0 : i32
    %c0_i32_0 = arith.constant 0 : i32
    %c0_i32_1 = arith.constant 0 : i32
    return %c0_i32, %arg0, %c0_i32_0 : i32, i32, i32
  }
  func.func @transform_1(%arg0: i32) -> (i32, i32, i32) {
    %c0_i32 = arith.constant 0 : i32
    %c0_i32_0 = arith.constant 0 : i32
    %c0_i32_1 = arith.constant 0 : i32
    return %c0_i32, %arg0, %c0_i32_0 : i32, i32, i32
  }
  func.func @transform_2(%arg0: i32) -> (i32, i32, i32) {
    %c0_i32 = arith.constant 0 : i32
    %c0_i32_0 = arith.constant 0 : i32
    %c0_i32_1 = arith.constant 0 : i32
    %c0_i32_2 = arith.constant 0 : i32
    return %c0_i32, %c0_i32_0, %c0_i32_1 : i32, i32, i32
  }
  func.func @transform_3(%arg0: i32) -> (i32, i32) {
    %c0_i32 = arith.constant 0 : i32
    %c0_i32_0 = arith.constant 0 : i32
    return %arg0, %c0_i32 : i32, i32
  }
  func.func @transform_4(%arg0: i32) -> (i32, i32) {
    %c0_i32 = arith.constant 0 : i32
    %c0_i32_0 = arith.constant 0 : i32
    return %arg0, %c0_i32 : i32, i32
  }
}

</mosaic_0001>

<sc_bundles>
// kernel: kernel.11.cloned.1.call-start
scs
__scs_entry_jumppad:
0x0: {  	(pc) =	sbr.rel $0x88, $3  }
0x1: {  	(tag) =	ssettag $0x0;
	lr =	simm.s32 $0x1  }
0x2: {  	[smem:$0x3F99] =	sst lr;
	_ =	strace $0xD0000000  }
0x3: {  	_ = 	snop  }
0x4: {  	_ = 	snop  }
0x5: {  	_ = 	snop  }
0x6: {  	_ = 	snop  }
0x7: {  	_ = 	snop  }
__scs_overlays_trampoline_lowered:
0x8: {  	[smem:$0x3FA8] =	sst s0  }
0x9: {  	[smem:$0x3FA9] =	sst s1  }
0xa: {  	[smem:$0x3FAA] =	sst s2  }
0xb: {  	[smem:$0x3FAB] =	sst s3  }
0xc: {  	[smem:$0x3FAC] =	sst s4  }
0xd: {  	[smem:$0x3FAD] =	sst s5  }
0xe: {  	[smem:$0x3FAE] =	sst s6  }
0xf: {  	[smem:$0x3FAF] =	sst s7  }
0x10: {  	[smem:$0x3FB0] =	sst s8  }
0x11: {  	[smem:$0x3FB1] =	sst s9;
	s0 =	simm.s32 @!p0 $0x0  }
0x12: {  	s1 =	sld [smem:$0x3F97];
	s0 =	simm.s32 @p0 $0x1  }
0x13: {  	[smem:$0x3FB2] =	sst s0;
	s0 =	simm.s32 @!p1 $0x0  }
0x14: {  	s2 =	sld [smem:$0x3F96];
	s0 =	simm.s32 @p1 $0x1  }
0x15: {  	[smem:$0x3FB3] =	sst s0;
	s0 =	simm.s32 @!p2 $0x0  }
0x16: {  	s3 =	sld [smem:$0x3FDB];
	s0 =	simm.s32 @p2 $0x1  }
0x17: {  	s4 =	simm.s32 $0x1BF5;
	[smem:$0x3FB5] =	sst s0  }
0x18: {  	s0 =	sld [smem:$0x3F98];
	_ =	swait.ge [sflag:s4], $0x0  }
0x19: {  	s7 =	sld [smem:$0x3F99]  }
0x1a: {  	s8 =	sadd.s32 $0xFFFFE003, lr  }
0x1b: {  	s9 =	sadd.s32 $0xFFFFFEF7, lr;
	s5 =	simm.s32 $0xFFFFFFFF;
	p2 =	slt.u32 s8, $0xFFFFF086  }
0x1c: {  	p1 =	slt.u32 s9, $0xF7A;
	s5 =	simm.s32 @!p2 $0x0  }
0x1d: {  	s5 =	simm.s32 @p1 $0x1;
	p0 =	seq.s32 s7, s2  }
0x1e: {  	s7 =	smul.u32 @!p0 $0xF7A, s2;
	p2 =	seq.s32 @!p0 s5, $0x0  }
0x1f: {  	s9 =	smul.u32 $0xF7A, s1;
	s8 =	simm.s32 @!p0 $0x1BF5;
	p2 =	por !p2, p0  }
0x20: {  	[sflag:s8] =	ssyncset.s32 @!p0 $0xFFFFF086;
	s6 =	sadd.s32 @!p0 s3, s7;
	s7 =	simm.s32 @!p0 $0x108  }
0x21: {  	s3 =	sadd.s32 s3, s9;
	s6 =	sadd.s32 @!p0 $0x88, s6;
	s7 =	simm.s32 @p2 $0x1082  }
0x22: {  	[simem:s7], [sflag:s8] =	dma.local @!p0 [hbm:s6], $0xF7A  }
0x23: {  	s9 =	sor.u32 $0xD0000000, s2;
	s6 =	simm.s32 $0x108;
	_ =	swait.ge @!p0 [sflag:s8], $0x0  }
0x24: {  	s3 =	sadd.s32 $0x88, s3;
	s6 =	simm.s32 @!p1 $0x1082;
	[sflag:s4] =	ssyncset.s32 $0xFFFFF086  }
0x25: {  	[simem:s6], [sflag:s4] =	dma.local [hbm:s3], $0xF7A  }
0x26: {  	[smem:$0x3F99] =	sst s1;
	(tag) =	ssettag s2;
	_ =	strace s9  }
0x27: {  	s1 =	sld [smem:$0x3FA9]  }
0x28: {  	s2 =	sld [smem:$0x3FAA]  }
0x29: {  	s4 =	sld [smem:$0x3FAC]  }
0x2a: {  	p0 =	seq.s32 s5, $0x0;
	s5 =	sld [smem:$0x3FAD]  }
0x2b: {  	s6 =	sld [smem:$0x3FAE]  }
0x2c: {  	s7 =	sld [smem:$0x3FAF]  }
0x2d: {  	s3 =	simm.s32 $0x108;
	s8 =	sld [smem:$0x3FB0]  }
0x2e: {  	s3 =	simm.s32 @!p0 $0x1082;
	s9 =	sld [smem:$0x3FB1]  }
0x2f: {  	lr =	sadd.s32 s0, s3;
	s0 =	sld [smem:$0x3FA8]  }
0x30: {  	s3 =	sld [smem:$0x3FAB]  }
0x31: {  	[smem:$0x3FB4] =	sst s10  }
0x32: {  	s10 =	sld [smem:$0x3FB2];
	_ =	sdelay $0x3  }
0x33: {  	p0 =	seq.s32 s10, $0x1;
	s10 =	sld [smem:$0x3FB4];
	_ =	sdelay $0x3  }
0x34: {  	[smem:$0x3FB4] =	sst s10  }
0x35: {  	s10 =	sld [smem:$0x3FB3];
	_ =	sdelay $0x3  }
0x36: {  	p1 =	seq.s32 s10, $0x1;
	s10 =	sld [smem:$0x3FB4];
	_ =	sdelay $0x3  }
0x37: {  	[smem:$0x3FB4] =	sst s10  }
0x38: {  	s10 =	sld [smem:$0x3FB5]  }
0x39: {  	_ = 	snop;
	(pc) =	sbr.ind lr, $3  }
0x3a: {  	_ = 	snop  }
0x3b: {  	_ = 	snop  }
0x3c: {  	p2 =	seq.s32 s10, $0x1;
	s10 =	sld [smem:$0x3FB4]  }
0x3d: {  	_ =	shalt  }
0x3e: {  	_ =	shalt  }
0x3f: {  	_ =	shalt  }
0x40: {  	_ =	shalt  }
0x41: {  	_ =	shalt  }
0x42: {  	_ =	shalt  }
0x43: {  	_ =	shalt  }
0x44: {  	_ =	shalt  }
0x45: {  	_ =	shalt  }
0x46: {  	_ =	shalt  }
0x47: {  	_ =	shalt  }
0x48: {  	_ =	shalt  }
0x49: {  	_ =	shalt  }
0x4a: {  	_ =	shalt  }
0x4b: {  	_ =	shalt  }
0x4c: {  	_ =	shalt  }
0x4d: {  	_ =	shalt  }
0x4e: {  	_ =	shalt  }
0x4f: {  	_ =	shalt  }
0x50: {  	_ =	shalt  }
0x51: {  	_ =	shalt  }
0x52: {  	_ =	shalt  }
0x53: {  	_ =	shalt  }
0x54: {  	_ =	shalt  }
0x55: {  	_ =	shalt  }
0x56: {  	_ =	shalt  }
0x57: {  	_ =	shalt  }
0x58: {  	_ =	shalt  }
0x59: {  	_ =	shalt  }
0x5a: {  	_ =	shalt  }
0x5b: {  	_ =	shalt  }
0x5c: {  	_ =	shalt  }
0x5d: {  	_ =	shalt  }
0x5e: {  	_ =	shalt  }
0x5f: {  	_ =	shalt  }
0x60: {  	_ =	shalt  }
0x61: {  	_ =	shalt  }
0x62: {  	_ =	shalt  }
0x63: {  	_ =	shalt  }
0x64: {  	_ =	shalt  }
0x65: {  	_ =	shalt  }
0x66: {  	_ =	shalt  }
0x67: {  	_ =	shalt  }
0x68: {  	_ =	shalt  }
0x69: {  	_ =	shalt  }
0x6a: {  	_ =	shalt  }
0x6b: {  	_ =	shalt  }
0x6c: {  	_ =	shalt  }
0x6d: {  	_ =	shalt  }
0x6e: {  	_ =	shalt  }
0x6f: {  	_ =	shalt  }
0x70: {  	_ =	shalt  }
0x71: {  	_ =	shalt  }
0x72: {  	_ =	shalt  }
0x73: {  	_ =	shalt  }
0x74: {  	_ =	shalt  }
0x75: {  	_ =	shalt  }
0x76: {  	_ =	shalt  }
0x77: {  	_ =	shalt  }
0x78: {  	_ =	shalt  }
0x79: {  	_ =	shalt  }
0x7a: {  	_ =	shalt  }
0x7b: {  	_ =	shalt  }
0x7c: {  	_ =	shalt  }
0x7d: {  	_ =	shalt  }
0x7e: {  	_ =	shalt  }
0x7f: {  	_ =	shalt  }
0x80: {  	_ =	shalt  }
0x81: {  	_ =	shalt  }
0x82: {  	_ =	shalt  }
0x83: {  	_ =	shalt  }
0x84: {  	_ =	shalt  }
0x85: {  	_ =	shalt  }
0x86: {  	_ =	shalt  }
0x87: {  	_ =	shalt  }
.Lfunc_end0:
.L_simem_size_0:
called_computation_lowered:
.L_overlay_start_0:
0x88: {  	s2 =	sld [smem:$0x3FD9]  }
0x89: {  	s3 =	sld [smem:$0x3FFE];
	_ =	sdelay $0x1  }
0x8a: {  	s1 =	srdreg.scid  }
0x8b: {  	s0 =	sand.u32 $0x1, s1  }
0x8c: {  	s17 =	sshll.u32 s0, $0xA;
	s2 =	sadd.s32 s3, s2  }
0x8d: {  	s2 =	sadd.s32 s2, s17  }
0x8e: {  	[smem:$0x3FC0] =	sst s2  }
0x8f: {  	_ = 	snop  }
0x90: {  	s2 =	sld [smem:$0x3FD0];
	(tm) =	ssettm $0x1  }
0x91: {  	s18 =	sld [smem:$0x3FFB];
	_ =	sdelay $0x3  }
0x92: {  	_ =	strace s18  }
0x93: {  	s3 =	sld [smem:$0x3FFC];
	_ =	sdelay $0x3  }
0x94: {  	_ =	strace s3  }
0x95: {  	s3 =	sld [smem:$0x3FFD];
	_ =	sdelay $0x3  }
0x96: {  	_ =	strace s3  }
0x97: {  	_ =	strace $0x8FFFFFFF  }
0x98: {  	s19 =	sld [smem:$0x3FDB];
	_ =	sdelay $0x1  }
0x99: {  	s4 =	simm.s32 $_scs_section_size  }
0x9a: {  	s5 =	simm.s32 $_size__tile_overlayer_lowered;
	s6 =	simm.s32 $_tile_overlayer_lowered  }
0x9b: {  	s22 =	simm.s32 $0x1BFF;
	s21 =	sshll.u32 s6, $0x1;
	s3 =	sadd.s32 s4, s19  }
0x9c: {  	s7 =	simm.s32 $0x0;
	s20 =	sshll.u32 s5, $0x1;
	s5 =	sadd.s32 s21, s3  }
0x9d: {  	[timem:s7], [sflag:s22] =	dma.local [hbm:s5], s20  }
0x9e: {  	_ =	swait.ge [sflag:s22], s20  }
0x9f: {  	s4 =	ssub.s32 $0x0, s20;
	[sflag:s22] =	ssyncset.done $0x0  }
0xa0: {  	[sflag:s22] =	ssyncadd.s32 s4;
	_ =	sdelay $0x1  }
0xa1: {  	s23 =	simm.s32 $0x1B8B  }
0xa2: {  	_ =	swait.ge [sflag:s23], $0x1  }
0xa3: {  	[sflag:s23] =	ssyncset.done $0x0  }
0xa4: {  	s25 =	simm.s32 $0x1B8E;
	s24 =	sld [smem:$0x3FFE];
	[sflag:s23] =	ssyncadd.s32 $0xFFFFFFFF  }
0xa5: {  	s26 =	simm.s32 $execute0_lowered;
	[smem:$0x3FD2] =	sst s25  }
0xa6: {  	s5 =	sshll.u32 s26, $0x1;
	_ =	strace $0x80000046;
	[dreg:$0x1] =	wrdreg $0xFFFFFFFF  }
0xa7: {  	s28 =	simm.s32 $_size_execute0_lowered;
	s3 =	sadd.s32 s3, s5;
	[dreg:$0x0] =	wrdreg $0x0  }
0xa8: {  	s5 =	sshll.u32 s28, $0x1;
	[dreg:$0x2] =	wrdreg s3  }
0xa9: {  	[dreg:$0x3] =	wrdreg s5  }
0xaa: {  	[dreg:$0x4] =	wrdreg $0xC0  }
0xab: {  	_ =	task [dreg:s7], $0x5FFFF  }
0xac: {  	[dreg:$0x1] =	wrdreg $0xFFFFFFFF  }
0xad: {  	[dreg:$0x0] =	wrdreg $0x60  }
0xae: {  	[dreg:$0x2] =	wrdreg s24  }
0xaf: {  	[dreg:$0x3] =	wrdreg s2  }
0xb0: {  	[dreg:$0x4] =	wrdreg $0x2800  }
0xb1: {  	[dreg:$0x5] =	wrdreg $0x9  }
0xb2: {  	_ =	task.clear_ibuf [dreg:s7], $0x6FFFF;
	_ =	strace $0x90000046  }
0xb3: {  	s29 =	simm.s32 $0x9;
	_ =	strace $0x80000048  }
0xb4: {  	_ =	swait.ge [sflag:s29], $0x1  }
0xb5: {  	[sflag:s29] =	ssyncadd.s32 $0xFFFFFFFF  }
0xb6: {  	_ =	strace $0x90000048  }
0xb7: {  	_ =	sfence  }
0xb8: {  	s30 =	sld [smem:$0x0];
	_ =	sdelay $0x2  }
0xb9: {  	s31 =	sshll.u32 s1, $0xD;
	s1 =	sshrl.u32 s1, $0x2  }
0xba: {  	s3 =	sand.u32 $0x4000, s31;
	s1 =	sadd.s32 s1, s30  }
0xbb: {  	s0 =	sor.u32 s3, s0;
	s1 =	sshll.u32 s1, $0x11  }
0xbc: {  	s0 =	sor.u32 s1, s0  }
0xbd: {  	s0 =	sadd.s32 $0x8F2B, s0  }
0xbe: {  	[sflag:s0] =	ssyncadd.remote.s32 $0x1  }
0xbf: {  	_ =	sfence.sel $0xFFFF  }
0xc0: {  	[dreg:$0x0] =	wrdreg $0xFFFFFFFF;
	(pc) =	sbr.abs _section_cstart, $3  }
0xc1: {  	[dreg:$0x1] =	wrdreg $0xFFFFFFFF  }
0xc2: {  	_ =	task.clear_ibuf [dreg:s7], $0x2FFFF;
	_ =	strace $0x9FFFFFFF  }
0xc3: {  	(tm) =	ssettm $0x7FFFFFFF  }
tec
execute0_lowered:
.L_overlay_start_1:
0x0: {  	(tag) =	ssettag $0x1  }
0x1: {  	s14 =	rddreg [dreg:$0x0]  }
0x2: {  	s9 =	rddreg [dreg:$0x1];
	s0 =	srdreg.scid  }
0x3: {  	s2 =	rddreg [dreg:$0x2];
	s1 =	stileid.u32  }
0x4: {  	s3 =	simm.s32 $0x0;
	s15 =	simm.s32 $0x200;
	s16 =	simm.s32 $0x1  }
0x5: {  	s17 =	simm.s32 $0x100;
	s18 =	simm.s32 $0xC8;
	s6 =	smul.u32 $0x1388, s1  }
0x6: {  	s5 =	sand.u32 $0x1, s0;
	s0 =	rddreg [dreg:$0x3];
	s7 =	smul.u32 $0x4E, s1  }
0x7: {  	s19 =	simm.s32 $0x0;
	[smem:$0x7FF] =	sst s3;
	s11 =	smul.u32 $0x9C0, s1  }
0x8: {  	s12 =	sadd.s32 $0xC492, s14;
	p1 =	seq.s32 s1, $0xF;
	s4 =	smul.u32 $0x13880, s5  }
0x9: {  	_ =	strace $0x80000047;
	s30 =	ssub.s32 $0x2, s5;
	p0 =	seq.s32 s5, $0x1  }
0xa: {  	s8 =	sshrl.u32 s30, $0x1;
	s13 =	sadd.s32 s7, s14;
	s31 =	sshrl.u32 s11, $0x2  }
.Ltmp0:
0xb: {  	s7 =	sadd.s32 s7, s9;
	s9 =	sadd.s32 $0x492, s9;
	(pc) =	sbr.rel .LBB2_1-.Ltmp0, $4  }
0xc: {  	s4 =	sadd.s32 s6, s4;
	s6 =	ssub.s32 s30, s8;
	s8 =	sadd.s32 $0x2490, s2  }
0xd: {  	s11 =	sadd.s32 $0xC000, s13;
	s13 =	sadd.s32 $0xC600, s13;
	s4 =	sshrl.u32 s4, $0x3  }
0xe: {  	s5 =	smax.u32 s6, $0x1;
	s6 =	sadd.s32 s31, s2;
	s10 =	sadd.s32 s4, s14  }
0xf: {  	s4 =	sadd.s32 $0xBE00, s14;
	s14 =	sadd.s32 $0xCA92, s14;
	s10 =	sadd.s32 $0x6E00, s10  }
.LBB2_14:
0x10: {  	[sflag:s16] =	ssyncadd.s32 $0xFFFFFFF0  }
.LBB2_25:
0x11: {  	s19 =	sadd.s32 $0x1, s19  }
0x12: {  	p2 =	sne.s32 s19, s5  }
.Ltmp1:
0x13: {  	_ = 	snop;
	(pc) =	sbr.rel @!p2 .LBB2_26-.Ltmp1, $1  }
0x14: {  	_ =	sdelay $0x3  }
.LBB2_1:
.Ltmp2:
0x15: {  	(pc) =	sbr.rel @!p1 .LBB2_2-.Ltmp2, $1  }
0x16: {  	_ =	sdelay $0x3  }
0x17: {  	s20 =	sadd.s32 $0x0, s9  }
0x18: {  	[tilespmem:s15], [sflag:$0x1] =	stream.linear.gather [hbm4b:s20+s3], $0x10, $0x38;
	[tilespmem:$0x4F8] =	vst v63  }
0x19: {  	_ =	swait.ge [sflag:s16], $0x10  }
0x1a: {  	[sflag:s16] =	ssyncset.done $0x0  }
0x1b: {  	[sflag:s16] =	ssyncadd.s32 $0xFFFFFFF0  }
0x1c: {  	[spmem:s8] =	stream.linear.scatter [tilespmem:s15], [sflag:$0x1], $0x10, $0x38;
	[tilespmem:$0x4F8] =	vst v63  }
0x1d: {  	s21 =	simm.s32 $0x2;
	_ =	swait.ge [sflag:s16], $0x10  }
0x1e: {  	s22 =	simm.s32 $0x4;
	s20 =	sadd.s32 $0x10, s8;
	[sflag:s16] =	ssyncset.done $0x0  }
.LBB2_6:
0x1f: {  	s23 =	sadd.s32 s21, s9  }
0x20: {  	[sflag:s16] =	ssyncadd.s32 $0xFFFFFFF0;
	s21 =	smov.u32 s22;
	s24 =	sadd.s32 $0x2, s22  }
0x21: {  	[tilespmem:s15], [sflag:$0x1] =	stream.linear.gather [hbm4b:s23+s3], $0x10, $0x38;
	[tilespmem:$0x4F8] =	vst v63  }
0x22: {  	p2 =	sne.s32 s22, $0x4E;
	_ =	swait.ge [sflag:s16], $0x10  }
.Ltmp3:
0x23: {  	[sflag:s16] =	ssyncset.done $0x0;
	(pc) =	sbr.rel @p2 .LBB2_6-.Ltmp3, $4  }
0x24: {  	[sflag:s16] =	ssyncadd.s32 $0xFFFFFFF0  }
0x25: {  	[spmem:s20] =	stream.linear.scatter [tilespmem:s15], [sflag:$0x1], $0x10, $0x38;
	[tilespmem:$0x4F8] =	vst v63  }
0x26: {  	_ =	swait.ge [sflag:s16], $0x10  }
0x27: {  	s22 =	smov.u32 s24;
	s20 =	sadd.s32 $0x10, s20;
	[sflag:s16] =	ssyncset.done $0x0  }
0x28: {  	s21 =	sadd.s32 s21, s9;
	[sflag:s16] =	ssyncadd.s32 $0xFFFFFFF0  }
0x29: {  	[tilespmem:s15], [sflag:$0x1] =	stream.linear.gather [hbm4b:s21+s3], $0x10, $0x38;
	[tilespmem:$0x4F8] =	vst v63  }
0x2a: {  	_ =	swait.ge [sflag:s16], $0x10  }
0x2b: {  	[sflag:s16] =	ssyncset.done $0x0  }
.Ltmp4:
0x2c: {  	[sflag:s16] =	ssyncadd.s32 $0xFFFFFFF0;
	(pc) =	sbr.rel .LBB2_8-.Ltmp4, $4  }
0x2d: {  	[spmem:s20] =	stream.linear.scatter [tilespmem:s15], [sflag:$0x1], $0x10, $0x38;
	[tilespmem:$0x4F8] =	vst v63  }
0x2e: {  	_ =	swait.ge [sflag:s16], $0x10  }
0x2f: {  	[sflag:s16] =	ssyncset.done $0x0  }
0x30: {  	[sflag:s16] =	ssyncadd.s32 $0xFFFFFFF0  }
.LBB2_2:
0x31: {  	s20 =	sadd.s32 $0x0, s7  }
0x32: {  	[tilespmem:s15], [sflag:$0x1] =	stream.linear.gather [hbm4b:s20+s3], $0x10, $0x38;
	[tilespmem:$0x4F8] =	vst v63  }
0x33: {  	_ =	swait.ge [sflag:s16], $0x10  }
0x34: {  	[sflag:s16] =	ssyncset.done $0x0  }
0x35: {  	[sflag:s16] =	ssyncadd.s32 $0xFFFFFFF0  }
0x36: {  	[spmem:s6] =	stream.linear.scatter [tilespmem:s15], [sflag:$0x1], $0x10, $0x38;
	[tilespmem:$0x4F8] =	vst v63  }
0x37: {  	s21 =	simm.s32 $0x2;
	_ =	swait.ge [sflag:s16], $0x10  }
0x38: {  	s22 =	simm.s32 $0x4;
	s20 =	sadd.s32 $0x10, s6;
	[sflag:s16] =	ssyncset.done $0x0  }
.LBB2_3:
0x39: {  	s23 =	sadd.s32 s21, s7  }
0x3a: {  	[sflag:s16] =	ssyncadd.s32 $0xFFFFFFF0;
	s21 =	smov.u32 s22;
	s24 =	sadd.s32 $0x2, s22  }
0x3b: {  	[tilespmem:s15], [sflag:$0x1] =	stream.linear.gather [hbm4b:s23+s3], $0x10, $0x38;
	[tilespmem:$0x4F8] =	vst v63  }
0x3c: {  	p2 =	seq.s32 s22, $0x4C;
	_ =	swait.ge [sflag:s16], $0x10  }
.Ltmp5:
0x3d: {  	[sflag:s16] =	ssyncset.done $0x0;
	(pc) =	sbr.rel @!p2 .LBB2_3-.Ltmp5, $4  }
0x3e: {  	[sflag:s16] =	ssyncadd.s32 $0xFFFFFFF0  }
0x3f: {  	[spmem:s20] =	stream.linear.scatter [tilespmem:s15], [sflag:$0x1], $0x10, $0x38;
	[tilespmem:$0x4F8] =	vst v63  }
0x40: {  	_ =	swait.ge [sflag:s16], $0x10  }
0x41: {  	s22 =	smov.u32 s24;
	s20 =	sadd.s32 $0x10, s20;
	[sflag:s16] =	ssyncset.done $0x0  }
0x42: {  	s21 =	sadd.s32 s21, s7;
	[sflag:s16] =	ssyncadd.s32 $0xFFFFFFF0  }
0x43: {  	[tilespmem:s15], [sflag:$0x1] =	stream.linear.gather [hbm4b:s21+s3], $0x10, $0x38;
	[tilespmem:$0x4F8] =	vst v63  }
0x44: {  	_ =	swait.ge [sflag:s16], $0x10  }
0x45: {  	[sflag:s16] =	ssyncset.done $0x0  }
0x46: {  	[sflag:s16] =	ssyncadd.s32 $0xFFFFFFF0  }
0x47: {  	[spmem:s20] =	stream.linear.scatter [tilespmem:s15], [sflag:$0x1], $0x10, $0x38;
	[tilespmem:$0x4F8] =	vst v63  }
0x48: {  	_ =	swait.ge [sflag:s16], $0x10  }
0x49: {  	[sflag:s16] =	ssyncset.done $0x0  }
0x4a: {  	[sflag:s16] =	ssyncadd.s32 $0xFFFFFFF0  }
.LBB2_8:
0x4b: {  	s20 =	simm.s32 $0x0  }
0x4c: {  	[tilespmem:s17], [sflag:$0x1] =	stream.linear.gather [hbm4b:s4+s20], $0x100, $0x38;
	[tilespmem:$0x4F8] =	vst v63  }
0x4d: {  	_ =	swait.ge [sflag:s16], $0x100  }
0x4e: {  	[sflag:s16] =	ssyncset.done $0x0  }
0x4f: {  	[sflag:s16] =	ssyncadd.s32 $0xFFFFFF00  }
0x50: {  	s31 =	sadd.s32 $0x0, s10;
	[bflag:$0x0] =	sbarrier.arrive $0xFFFF  }
0x51: {  	[tilespmem:s3], [sflag:$0x1] =	stream.linear.gather [hbm4b:s31+s3], $0xC8, $0x38;
	[tilespmem:$0x4F8] =	vst v63  }
0x52: {  	_ =	swait.ge [sflag:s16], $0xC8  }
0x53: {  	[sflag:s16] =	ssyncset.done $0x0  }
0x54: {  	[sflag:s16] =	ssyncadd.s32 $0xFFFFFF38  }
0x55: {  	[spmem:s2] =	stream.indirect.scatter.add.f32 [tilespmem:s17], [sflag:$0x1], $0x1, s3, s18, $0xb8;
	[tilespmem:$0x4F8] =	vst v63  }
0x56: {  	_ =	swait.ge [sflag:s16], $0xC8  }
0x57: {  	s21 =	simm.s32 $0x32;
	s20 =	simm.s32 $0x19;
	[sflag:s16] =	ssyncset.done $0x0  }
.LBB2_9:
0x58: {  	s22 =	sadd.s32 s20, s10  }
0x59: {  	[sflag:s16] =	ssyncadd.s32 $0xFFFFFF38;
	s20 =	smov.u32 s21;
	s23 =	sadd.s32 $0x19, s21  }
0x5a: {  	[tilespmem:s3], [sflag:$0x1] =	stream.linear.gather [hbm4b:s22+s3], $0xC8, $0x38;
	[tilespmem:$0x4F8] =	vst v63  }
0x5b: {  	p2 =	sne.s32 s21, $0x258;
	_ =	swait.ge [sflag:s16], $0xC8  }
.Ltmp6:
0x5c: {  	[sflag:s16] =	ssyncset.done $0x0;
	(pc) =	sbr.rel @p2 .LBB2_9-.Ltmp6, $4  }
0x5d: {  	[sflag:s16] =	ssyncadd.s32 $0xFFFFFF38  }
0x5e: {  	[spmem:s2] =	stream.indirect.scatter.add.f32 [tilespmem:s17], [sflag:$0x1], $0x1, s3, s18, $0xb8;
	[tilespmem:$0x4F8] =	vst v63  }
0x5f: {  	_ =	swait.ge [sflag:s16], $0xC8  }
0x60: {  	s21 =	smov.u32 s23;
	[sflag:s16] =	ssyncset.done $0x0  }
0x61: {  	s20 =	sadd.s32 s20, s10;
	[sflag:s16] =	ssyncadd.s32 $0xFFFFFF38  }
0x62: {  	[tilespmem:s3], [sflag:$0x1] =	stream.linear.gather [hbm4b:s20+s3], $0xC8, $0x38;
	[tilespmem:$0x4F8] =	vst v63  }
0x63: {  	_ =	swait.ge [sflag:s16], $0xC8  }
0x64: {  	[sflag:s16] =	ssyncset.done $0x0  }
0x65: {  	[sflag:s16] =	ssyncadd.s32 $0xFFFFFF38  }
0x66: {  	[spmem:s2] =	stream.indirect.scatter.add.f32 [tilespmem:s17], [sflag:$0x1], $0x1, s3, s18, $0xb8;
	[tilespmem:$0x4F8] =	vst v63  }
.Ltmp7:
0x67: {  	_ =	swait.ge [sflag:s16], $0xC8;
	(pc) =	sbr.rel @!p0 .LBB2_11-.Ltmp7, $3  }
0x68: {  	[sflag:s16] =	ssyncset.done $0x0  }
0x69: {  	[sflag:s16] =	ssyncadd.s32 $0xFFFFFF38  }
0x6a: {  	[bflag:$0x0] =	sbarrier.arrive $0xFFFF;
	_ =	sdelay $0x1  }
.Ltmp8:
0x6b: {  	(pc) =	sbr.rel @!p1 .LBB2_19-.Ltmp8, $1  }
0x6c: {  	_ =	sdelay $0x3  }
0x6d: {  	[tilespmem:s15], [sflag:$0x1] =	stream.linear.gather [spmem:s8], $0x10, $0x38;
	[tilespmem:$0x4F8] =	vst v63  }
0x6e: {  	_ =	swait.ge [sflag:s16], $0x10  }
0x6f: {  	[sflag:s16] =	ssyncset.done $0x0  }
0x70: {  	s20 =	sadd.s32 $0x0, s14;
	[sflag:s16] =	ssyncadd.s32 $0xFFFFFFF0  }
0x71: {  	[hbm4b:s20+s3] =	stream.linear.scatter [tilespmem:s15], [sflag:$0x1], $0x10, $0x38;
	[tilespmem:$0x4F8] =	vst v63  }
0x72: {  	_ =	swait.ge [sflag:s16], $0x10  }
0x73: {  	s21 =	smov.u32 s8;
	s20 =	simm.s32 $0x2;
	[sflag:s16] =	ssyncset.done $0x0  }
.LBB2_23:
0x74: {  	p2 =	sne.s32 s20, $0x4E;
	[sflag:s16] =	ssyncadd.s32 $0xFFFFFFF0;
	s21 =	sadd.s32 $0x10, s21  }
0x75: {  	[tilespmem:s15], [sflag:$0x1] =	stream.linear.gather [spmem:s21], $0x10, $0x38;
	[tilespmem:$0x4F8] =	vst v63  }
0x76: {  	s22 =	smov.u32 s20;
	s20 =	sadd.s32 $0x2, s20;
	_ =	swait.ge [sflag:s16], $0x10  }
.Ltmp9:
0x77: {  	[sflag:s16] =	ssyncset.done $0x0;
	(pc) =	sbr.rel @p2 .LBB2_23-.Ltmp9, $4  }
0x78: {  	s22 =	sadd.s32 s22, s14;
	[sflag:s16] =	ssyncadd.s32 $0xFFFFFFF0  }
0x79: {  	[hbm4b:s22+s3] =	stream.linear.scatter [tilespmem:s15], [sflag:$0x1], $0x10, $0x38;
	[tilespmem:$0x4F8] =	vst v63  }
0x7a: {  	_ =	swait.ge [sflag:s16], $0x10  }
0x7b: {  	[sflag:s16] =	ssyncset.done $0x0  }
.Ltmp10:
0x7c: {  	(pc) =	sbr.rel .LBB2_25-.Ltmp10, $2  }
0x7d: {  	_ =	sdelay $0x2  }
0x7e: {  	[sflag:s16] =	ssyncadd.s32 $0xFFFFFFF0  }
.LBB2_11:
.Ltmp11:
0x7f: {  	(pc) =	sbr.rel @!p1 .LBB2_12-.Ltmp11, $1  }
0x80: {  	_ =	sdelay $0x3  }
0x81: {  	[tilespmem:s15], [sflag:$0x1] =	stream.linear.gather [spmem:s8], $0x10, $0x38;
	[tilespmem:$0x4F8] =	vst v63  }
0x82: {  	_ =	swait.ge [sflag:s16], $0x10  }
0x83: {  	[sflag:s16] =	ssyncset.done $0x0  }
0x84: {  	s20 =	sadd.s32 $0x0, s12;
	[sflag:s16] =	ssyncadd.s32 $0xFFFFFFF0  }
0x85: {  	[hbm4b:s20+s3] =	stream.linear.scatter [tilespmem:s15], [sflag:$0x1], $0x10, $0x38;
	[tilespmem:$0x4F8] =	vst v63  }
0x86: {  	_ =	swait.ge [sflag:s16], $0x10  }
0x87: {  	s21 =	smov.u32 s8;
	s20 =	simm.s32 $0x2;
	[sflag:s16] =	ssyncset.done $0x0  }
.LBB2_16:
0x88: {  	p2 =	seq.s32 s20, $0x4E;
	[sflag:s16] =	ssyncadd.s32 $0xFFFFFFF0;
	s21 =	sadd.s32 $0x10, s21  }
0x89: {  	[tilespmem:s15], [sflag:$0x1] =	stream.linear.gather [spmem:s21], $0x10, $0x38;
	[tilespmem:$0x4F8] =	vst v63  }
0x8a: {  	s22 =	smov.u32 s20;
	s20 =	sadd.s32 $0x2, s20;
	_ =	swait.ge [sflag:s16], $0x10  }
.Ltmp12:
0x8b: {  	[sflag:s16] =	ssyncset.done $0x0;
	(pc) =	sbr.rel @!p2 .LBB2_16-.Ltmp12, $4  }
0x8c: {  	s22 =	sadd.s32 s22, s12;
	[sflag:s16] =	ssyncadd.s32 $0xFFFFFFF0  }
0x8d: {  	[hbm4b:s22+s3] =	stream.linear.scatter [tilespmem:s15], [sflag:$0x1], $0x10, $0x38;
	[tilespmem:$0x4F8] =	vst v63  }
0x8e: {  	_ =	swait.ge [sflag:s16], $0x10  }
0x8f: {  	[sflag:s16] =	ssyncset.done $0x0  }
.Ltmp13:
0x90: {  	(pc) =	sbr.rel .LBB2_25-.Ltmp13, $2  }
0x91: {  	_ =	sdelay $0x2  }
0x92: {  	[sflag:s16] =	ssyncadd.s32 $0xFFFFFFF0  }
.LBB2_19:
0x93: {  	[tilespmem:s15], [sflag:$0x1] =	stream.linear.gather [spmem:s6], $0x10, $0x38;
	[tilespmem:$0x4F8] =	vst v63  }
0x94: {  	_ =	swait.ge [sflag:s16], $0x10  }
0x95: {  	[sflag:s16] =	ssyncset.done $0x0  }
0x96: {  	s20 =	sadd.s32 $0x0, s13;
	[sflag:s16] =	ssyncadd.s32 $0xFFFFFFF0  }
0x97: {  	[hbm4b:s20+s3] =	stream.linear.scatter [tilespmem:s15], [sflag:$0x1], $0x10, $0x38;
	[tilespmem:$0x4F8] =	vst v63  }
0x98: {  	_ =	swait.ge [sflag:s16], $0x10  }
0x99: {  	s21 =	smov.u32 s6;
	s20 =	simm.s32 $0x2;
	[sflag:s16] =	ssyncset.done $0x0  }
.LBB2_20:
0x9a: {  	p2 =	seq.s32 s20, $0x4C;
	[sflag:s16] =	ssyncadd.s32 $0xFFFFFFF0;
	s21 =	sadd.s32 $0x10, s21  }
0x9b: {  	[tilespmem:s15], [sflag:$0x1] =	stream.linear.gather [spmem:s21], $0x10, $0x38;
	[tilespmem:$0x4F8] =	vst v63  }
0x9c: {  	s22 =	smov.u32 s20;
	s20 =	sadd.s32 $0x2, s20;
	_ =	swait.ge [sflag:s16], $0x10  }
.Ltmp14:
0x9d: {  	[sflag:s16] =	ssyncset.done $0x0;
	(pc) =	sbr.rel @!p2 .LBB2_20-.Ltmp14, $4  }
0x9e: {  	s22 =	sadd.s32 s22, s13;
	[sflag:s16] =	ssyncadd.s32 $0xFFFFFFF0  }
0x9f: {  	[hbm4b:s22+s3] =	stream.linear.scatter [tilespmem:s15], [sflag:$0x1], $0x10, $0x38;
	[tilespmem:$0x4F8] =	vst v63  }
0xa0: {  	_ =	swait.ge [sflag:s16], $0x10  }
0xa1: {  	[sflag:s16] =	ssyncset.done $0x0  }
.Ltmp15:
0xa2: {  	(pc) =	sbr.rel .LBB2_25-.Ltmp15, $2  }
0xa3: {  	_ =	sdelay $0x2  }
0xa4: {  	[sflag:s16] =	ssyncadd.s32 $0xFFFFFFF0  }
.LBB2_12:
0xa5: {  	[tilespmem:s15], [sflag:$0x1] =	stream.linear.gather [spmem:s6], $0x10, $0x38;
	[tilespmem:$0x4F8] =	vst v63  }
0xa6: {  	_ =	swait.ge [sflag:s16], $0x10  }
0xa7: {  	[sflag:s16] =	ssyncset.done $0x0  }
0xa8: {  	s20 =	sadd.s32 $0x0, s11;
	[sflag:s16] =	ssyncadd.s32 $0xFFFFFFF0  }
0xa9: {  	[hbm4b:s20+s3] =	stream.linear.scatter [tilespmem:s15], [sflag:$0x1], $0x10, $0x38;
	[tilespmem:$0x4F8] =	vst v63  }
0xaa: {  	_ =	swait.ge [sflag:s16], $0x10  }
0xab: {  	s21 =	smov.u32 s6;
	s20 =	simm.s32 $0x2;
	[sflag:s16] =	ssyncset.done $0x0  }
.LBB2_13:
0xac: {  	p2 =	seq.s32 s20, $0x4C;
	[sflag:s16] =	ssyncadd.s32 $0xFFFFFFF0;
	s21 =	sadd.s32 $0x10, s21  }
0xad: {  	[tilespmem:s15], [sflag:$0x1] =	stream.linear.gather [spmem:s21], $0x10, $0x38;
	[tilespmem:$0x4F8] =	vst v63  }
0xae: {  	s22 =	smov.u32 s20;
	s20 =	sadd.s32 $0x2, s20;
	_ =	swait.ge [sflag:s16], $0x10  }
.Ltmp16:
0xaf: {  	[sflag:s16] =	ssyncset.done $0x0;
	(pc) =	sbr.rel @!p2 .LBB2_13-.Ltmp16, $4  }
0xb0: {  	s22 =	sadd.s32 s22, s11;
	[sflag:s16] =	ssyncadd.s32 $0xFFFFFFF0  }
0xb1: {  	[hbm4b:s22+s3] =	stream.linear.scatter [tilespmem:s15], [sflag:$0x1], $0x10, $0x38;
	[tilespmem:$0x4F8] =	vst v63  }
0xb2: {  	_ =	swait.ge [sflag:s16], $0x10  }
0xb3: {  	[sflag:s16] =	ssyncset.done $0x0  }
.Ltmp17:
0xb4: {  	_ = 	snop;
	(pc) =	sbr.rel .LBB2_14-.Ltmp17, $1  }
0xb5: {  	_ =	sdelay $0x3  }
.LBB2_26:
0xb6: {  	_ =	sfence.sel $0x180000  }
0xb7: {  	[bflag:$0x0] =	sbarrier.arrive $0xFFFF  }
0xb8: {  	p0 =	sne.s32 s1, $0x0;
	_ =	strace $0x90000047  }
0xb9: {  	s0 =	sadd.s32 @!p0 $0x100000, s0;
	[bflag:$0x2] =	sbarrier.arrive $0xFFFF  }
0xba: {  	[sflag:s0] =	ssyncadd.tile.s32 @!p0 $0x1;
	_ =	shalt  }
.Lfunc_end2:
_tile_overlayer_lowered:
.L_overlay_start_2:
0xbb: {  	(tag) =	ssettag $0x2  }
0xbc: {  	s0 =	rddreg [dreg:$0x0];
	s2 =	stileid.u32  }
0xbd: {  	s1 =	rddreg [dreg:$0x1];
	p0 =	sne.s32 s2, $0x0  }
0xbe: {  	s3 =	rddreg [dreg:$0x2];
	[bflag:$0x3] =	sbarrier.arrive $0xFFFF;
	s2 =	simm.s32 @!p0 $0x1C01  }
0xbf: {  	[timem:s3], [sflag:s2] =	dma.local @!p0 [hbm:s0], s1  }
0xc0: {  	s0 =	simm.s32 @!p0 $0x1  }
0xc1: {  	_ =	swait.ge @!p0 [sflag:s0], s1  }
0xc2: {  	s1 =	ssub.s32 @!p0 $0x0, s1;
	[sflag:s0] =	ssyncset.done @!p0 $0x0  }
0xc3: {  	[sflag:s0] =	ssyncadd.s32 @!p0 s1  }
0xc4: {  	[bflag:$0x3] =	sbarrier.arrive $0xFFFF  }
0xc5: {  	_ =	shalt  }

// kernel: kernel.14.cloned.1.call-start
scs
__scs_entry_jumppad:
0x0: {  	(pc) =	sbr.rel $0x88, $3  }
0x1: {  	(tag) =	ssettag $0x0;
	lr =	simm.s32 $0x1  }
0x2: {  	[smem:$0x3F99] =	sst lr;
	_ =	strace $0xD0000000  }
0x3: {  	_ = 	snop  }
0x4: {  	_ = 	snop  }
0x5: {  	_ = 	snop  }
0x6: {  	_ = 	snop  }
0x7: {  	_ = 	snop  }
__scs_overlays_trampoline_lowered:
0x8: {  	[smem:$0x3FA8] =	sst s0  }
0x9: {  	[smem:$0x3FA9] =	sst s1  }
0xa: {  	[smem:$0x3FAA] =	sst s2  }
0xb: {  	[smem:$0x3FAB] =	sst s3  }
0xc: {  	[smem:$0x3FAC] =	sst s4  }
0xd: {  	[smem:$0x3FAD] =	sst s5  }
0xe: {  	[smem:$0x3FAE] =	sst s6  }
0xf: {  	[smem:$0x3FAF] =	sst s7  }
0x10: {  	[smem:$0x3FB0] =	sst s8  }
0x11: {  	[smem:$0x3FB1] =	sst s9;
	s0 =	simm.s32 @!p0 $0x0  }
0x12: {  	s1 =	sld [smem:$0x3F97];
	s0 =	simm.s32 @p0 $0x1  }
0x13: {  	[smem:$0x3FB2] =	sst s0;
	s0 =	simm.s32 @!p1 $0x0  }
0x14: {  	s2 =	sld [smem:$0x3F96];
	s0 =	simm.s32 @p1 $0x1  }
0x15: {  	[smem:$0x3FB3] =	sst s0;
	s0 =	simm.s32 @!p2 $0x0  }
0x16: {  	s3 =	sld [smem:$0x3FDB];
	s0 =	simm.s32 @p2 $0x1  }
0x17: {  	s4 =	simm.s32 $0x1BF5;
	[smem:$0x3FB5] =	sst s0  }
0x18: {  	s0 =	sld [smem:$0x3F98];
	_ =	swait.ge [sflag:s4], $0x0  }
0x19: {  	s7 =	sld [smem:$0x3F99]  }
0x1a: {  	s8 =	sadd.s32 $0xFFFFE003, lr  }
0x1b: {  	s9 =	sadd.s32 $0xFFFFFEF7, lr;
	s5 =	simm.s32 $0xFFFFFFFF;
	p2 =	slt.u32 s8, $0xFFFFF086  }
0x1c: {  	p1 =	slt.u32 s9, $0xF7A;
	s5 =	simm.s32 @!p2 $0x0  }
0x1d: {  	s5 =	simm.s32 @p1 $0x1;
	p0 =	seq.s32 s7, s2  }
0x1e: {  	s7 =	smul.u32 @!p0 $0xF7A, s2;
	p2 =	seq.s32 @!p0 s5, $0x0  }
0x1f: {  	s9 =	smul.u32 $0xF7A, s1;
	s8 =	simm.s32 @!p0 $0x1BF5;
	p2 =	por !p2, p0  }
0x20: {  	[sflag:s8] =	ssyncset.s32 @!p0 $0xFFFFF086;
	s6 =	sadd.s32 @!p0 s3, s7;
	s7 =	simm.s32 @!p0 $0x108  }
0x21: {  	s3 =	sadd.s32 s3, s9;
	s6 =	sadd.s32 @!p0 $0x88, s6;
	s7 =	simm.s32 @p2 $0x1082  }
0x22: {  	[simem:s7], [sflag:s8] =	dma.local @!p0 [hbm:s6], $0xF7A  }
0x23: {  	s9 =	sor.u32 $0xD0000000, s2;
	s6 =	simm.s32 $0x108;
	_ =	swait.ge @!p0 [sflag:s8], $0x0  }
0x24: {  	s3 =	sadd.s32 $0x88, s3;
	s6 =	simm.s32 @!p1 $0x1082;
	[sflag:s4] =	ssyncset.s32 $0xFFFFF086  }
0x25: {  	[simem:s6], [sflag:s4] =	dma.local [hbm:s3], $0xF7A  }
0x26: {  	[smem:$0x3F99] =	sst s1;
	(tag) =	ssettag s2;
	_ =	strace s9  }
0x27: {  	s1 =	sld [smem:$0x3FA9]  }
0x28: {  	s2 =	sld [smem:$0x3FAA]  }
0x29: {  	s4 =	sld [smem:$0x3FAC]  }
0x2a: {  	p0 =	seq.s32 s5, $0x0;
	s5 =	sld [smem:$0x3FAD]  }
0x2b: {  	s6 =	sld [smem:$0x3FAE]  }
0x2c: {  	s7 =	sld [smem:$0x3FAF]  }
0x2d: {  	s3 =	simm.s32 $0x108;
	s8 =	sld [smem:$0x3FB0]  }
0x2e: {  	s3 =	simm.s32 @!p0 $0x1082;
	s9 =	sld [smem:$0x3FB1]  }
0x2f: {  	lr =	sadd.s32 s0, s3;
	s0 =	sld [smem:$0x3FA8]  }
0x30: {  	s3 =	sld [smem:$0x3FAB]  }
0x31: {  	[smem:$0x3FB4] =	sst s10  }
0x32: {  	s10 =	sld [smem:$0x3FB2];
	_ =	sdelay $0x3  }
0x33: {  	p0 =	seq.s32 s10, $0x1;
	s10 =	sld [smem:$0x3FB4];
	_ =	sdelay $0x3  }
0x34: {  	[smem:$0x3FB4] =	sst s10  }
0x35: {  	s10 =	sld [smem:$0x3FB3];
	_ =	sdelay $0x3  }
0x36: {  	p1 =	seq.s32 s10, $0x1;
	s10 =	sld [smem:$0x3FB4];
	_ =	sdelay $0x3  }
0x37: {  	[smem:$0x3FB4] =	sst s10  }
0x38: {  	s10 =	sld [smem:$0x3FB5]  }
0x39: {  	_ = 	snop;
	(pc) =	sbr.ind lr, $3  }
0x3a: {  	_ = 	snop  }
0x3b: {  	_ = 	snop  }
0x3c: {  	p2 =	seq.s32 s10, $0x1;
	s10 =	sld [smem:$0x3FB4]  }
0x3d: {  	_ =	shalt  }
0x3e: {  	_ =	shalt  }
0x3f: {  	_ =	shalt  }
0x40: {  	_ =	shalt  }
0x41: {  	_ =	shalt  }
0x42: {  	_ =	shalt  }
0x43: {  	_ =	shalt  }
0x44: {  	_ =	shalt  }
0x45: {  	_ =	shalt  }
0x46: {  	_ =	shalt  }
0x47: {  	_ =	shalt  }
0x48: {  	_ =	shalt  }
0x49: {  	_ =	shalt  }
0x4a: {  	_ =	shalt  }
0x4b: {  	_ =	shalt  }
0x4c: {  	_ =	shalt  }
0x4d: {  	_ =	shalt  }
0x4e: {  	_ =	shalt  }
0x4f: {  	_ =	shalt  }
0x50: {  	_ =	shalt  }
0x51: {  	_ =	shalt  }
0x52: {  	_ =	shalt  }
0x53: {  	_ =	shalt  }
0x54: {  	_ =	shalt  }
0x55: {  	_ =	shalt  }
0x56: {  	_ =	shalt  }
0x57: {  	_ =	shalt  }
0x58: {  	_ =	shalt  }
0x59: {  	_ =	shalt  }
0x5a: {  	_ =	shalt  }
0x5b: {  	_ =	shalt  }
0x5c: {  	_ =	shalt  }
0x5d: {  	_ =	shalt  }
0x5e: {  	_ =	shalt  }
0x5f: {  	_ =	shalt  }
0x60: {  	_ =	shalt  }
0x61: {  	_ =	shalt  }
0x62: {  	_ =	shalt  }
0x63: {  	_ =	shalt  }
0x64: {  	_ =	shalt  }
0x65: {  	_ =	shalt  }
0x66: {  	_ =	shalt  }
0x67: {  	_ =	shalt  }
0x68: {  	_ =	shalt  }
0x69: {  	_ =	shalt  }
0x6a: {  	_ =	shalt  }
0x6b: {  	_ =	shalt  }
0x6c: {  	_ =	shalt  }
0x6d: {  	_ =	shalt  }
0x6e: {  	_ =	shalt  }
0x6f: {  	_ =	shalt  }
0x70: {  	_ =	shalt  }
0x71: {  	_ =	shalt  }
0x72: {  	_ =	shalt  }
0x73: {  	_ =	shalt  }
0x74: {  	_ =	shalt  }
0x75: {  	_ =	shalt  }
0x76: {  	_ =	shalt  }
0x77: {  	_ =	shalt  }
0x78: {  	_ =	shalt  }
0x79: {  	_ =	shalt  }
0x7a: {  	_ =	shalt  }
0x7b: {  	_ =	shalt  }
0x7c: {  	_ =	shalt  }
0x7d: {  	_ =	shalt  }
0x7e: {  	_ =	shalt  }
0x7f: {  	_ =	shalt  }
0x80: {  	_ =	shalt  }
0x81: {  	_ =	shalt  }
0x82: {  	_ =	shalt  }
0x83: {  	_ =	shalt  }
0x84: {  	_ =	shalt  }
0x85: {  	_ =	shalt  }
0x86: {  	_ =	shalt  }
0x87: {  	_ =	shalt  }
.Lfunc_end0:
.L_simem_size_0:
called_computation.1_lowered:
.L_overlay_start_0:
0x88: {  	s1 =	sld [smem:$0x3FD9]  }
0x89: {  	s2 =	sld [smem:$0x3FFE];
	_ =	sdelay $0x1  }
0x8a: {  	s3 =	srdreg.scid  }
0x8b: {  	s0 =	sand.u32 $0x1, s3  }
0x8c: {  	s17 =	sshll.u32 s0, $0xA;
	s1 =	sadd.s32 s2, s1  }
0x8d: {  	s1 =	sadd.s32 s1, s17  }
0x8e: {  	[smem:$0x3FC0] =	sst s1  }
0x8f: {  	_ = 	snop  }
0x90: {  	(tm) =	ssettm $0x1  }
0x91: {  	s18 =	sld [smem:$0x3FFB];
	_ =	sdelay $0x3  }
0x92: {  	_ =	strace s18  }
0x93: {  	s1 =	sld [smem:$0x3FFC];
	_ =	sdelay $0x3  }
0x94: {  	_ =	strace s1  }
0x95: {  	s1 =	sld [smem:$0x3FFD];
	_ =	sdelay $0x3  }
0x96: {  	_ =	strace s1  }
0x97: {  	_ =	strace $0x8FFFFFFF  }
0x98: {  	s19 =	sld [smem:$0x3FDB];
	_ =	sdelay $0x1  }
0x99: {  	s20 =	simm.s32 $_scs_section_size  }
0x9a: {  	s4 =	simm.s32 $_size__tile_overlayer_lowered;
	s5 =	simm.s32 $_tile_overlayer_lowered  }
0x9b: {  	s23 =	simm.s32 $0x1BFF;
	s22 =	sshll.u32 s5, $0x1;
	s1 =	sadd.s32 s20, s19  }
0x9c: {  	s6 =	simm.s32 $0x0;
	s21 =	sshll.u32 s4, $0x1;
	s4 =	sadd.s32 s22, s1  }
0x9d: {  	[timem:s6], [sflag:s23] =	dma.local [hbm:s4], s21  }
0x9e: {  	_ =	swait.ge [sflag:s23], s21  }
0x9f: {  	s2 =	ssub.s32 $0x0, s21;
	[sflag:s23] =	ssyncset.done $0x0  }
0xa0: {  	[sflag:s23] =	ssyncadd.s32 s2;
	_ =	sdelay $0x1  }
0xa1: {  	s24 =	simm.s32 $0x1B8B  }
0xa2: {  	_ =	swait.ge [sflag:s24], $0x1  }
0xa3: {  	[sflag:s24] =	ssyncset.done $0x0  }
0xa4: {  	s25 =	simm.s32 $0x1B8E;
	[sflag:s24] =	ssyncadd.s32 $0xFFFFFFFF  }
0xa5: {  	s26 =	simm.s32 $execute0_lowered;
	[smem:$0x3FD2] =	sst s25  }
0xa6: {  	s2 =	sshll.u32 s26, $0x1;
	_ =	strace $0x80000049;
	[dreg:$0x1] =	wrdreg $0xFFFFFFFF  }
0xa7: {  	s28 =	simm.s32 $_size_execute0_lowered;
	s1 =	sadd.s32 s1, s2;
	[dreg:$0x0] =	wrdreg $0x0  }
0xa8: {  	s2 =	sshll.u32 s28, $0x1;
	[dreg:$0x2] =	wrdreg s1  }
0xa9: {  	[dreg:$0x3] =	wrdreg s2  }
0xaa: {  	[dreg:$0x4] =	wrdreg $0xC0  }
0xab: {  	_ =	task [dreg:s6], $0x5FFFF  }
0xac: {  	[dreg:$0x1] =	wrdreg $0xFFFFFFFF  }
0xad: {  	[dreg:$0x0] =	wrdreg $0x60  }
0xae: {  	[dreg:$0x2] =	wrdreg $0x9  }
0xaf: {  	_ =	task.clear_ibuf [dreg:s6], $0x3FFFF;
	_ =	strace $0x90000049  }
0xb0: {  	s29 =	simm.s32 $0x9;
	_ =	strace $0x8000004B  }
0xb1: {  	_ =	swait.ge [sflag:s29], $0x1  }
0xb2: {  	[sflag:s29] =	ssyncadd.s32 $0xFFFFFFFF  }
0xb3: {  	_ =	strace $0x9000004B  }
0xb4: {  	_ =	sfence  }
0xb5: {  	s30 =	sld [smem:$0x0];
	_ =	sdelay $0x2  }
0xb6: {  	s31 =	sshll.u32 s3, $0xD;
	s3 =	sshrl.u32 s3, $0x2  }
0xb7: {  	s2 =	sand.u32 $0x4000, s31;
	s1 =	sadd.s32 s3, s30  }
0xb8: {  	s0 =	sor.u32 s2, s0;
	s1 =	sshll.u32 s1, $0x11  }
0xb9: {  	s0 =	sor.u32 s1, s0  }
0xba: {  	s0 =	sadd.s32 $0x8F2B, s0  }
0xbb: {  	[sflag:s0] =	ssyncadd.remote.s32 $0x1  }
0xbc: {  	_ =	sfence.sel $0xFFFF  }
0xbd: {  	[dreg:$0x0] =	wrdreg $0xFFFFFFFF;
	(pc) =	sbr.abs _section_cstart, $3  }
0xbe: {  	[dreg:$0x1] =	wrdreg $0xFFFFFFFF  }
0xbf: {  	_ =	task.clear_ibuf [dreg:s6], $0x2FFFF;
	_ =	strace $0x9FFFFFFF  }
0xc0: {  	(tm) =	ssettm $0x7FFFFFFF  }
0xc1: {  	_ =	shalt  }
tec
execute0_lowered:
.L_overlay_start_1:
0x0: {  	(tag) =	ssettag $0x1  }
0x1: {  	s0 =	rddreg [dreg:$0x0];
	_ =	strace $0x8000004A  }
0x2: {  	_ =	sfence.sel $0x180000  }
0x3: {  	s1 =	stileid.u32;
	[bflag:$0x0] =	sbarrier.arrive $0xFFFF  }
0x4: {  	p0 =	sne.s32 s1, $0x0;
	_ =	strace $0x9000004A  }
0x5: {  	s0 =	sadd.s32 @!p0 $0x100000, s0;
	[bflag:$0x2] =	sbarrier.arrive $0xFFFF  }
0x6: {  	[sflag:s0] =	ssyncadd.tile.s32 @!p0 $0x1;
	_ =	shalt  }
.Lfunc_end2:
_tile_overlayer_lowered:
.L_overlay_start_2:
0x7: {  	(tag) =	ssettag $0x2  }
0x8: {  	s0 =	rddreg [dreg:$0x0];
	s2 =	stileid.u32  }
0x9: {  	s1 =	rddreg [dreg:$0x1];
	p0 =	sne.s32 s2, $0x0  }
0xa: {  	s3 =	rddreg [dreg:$0x2];
	[bflag:$0x3] =	sbarrier.arrive $0xFFFF;
	s2 =	simm.s32 @!p0 $0x1C01  }
0xb: {  	[timem:s3], [sflag:s2] =	dma.local @!p0 [hbm:s0], s1  }
0xc: {  	s0 =	simm.s32 @!p0 $0x1  }
0xd: {  	_ =	swait.ge @!p0 [sflag:s0], s1  }
0xe: {  	s1 =	ssub.s32 @!p0 $0x0, s1;
	[sflag:s0] =	ssyncset.done @!p0 $0x0  }
0xf: {  	[sflag:s0] =	ssyncadd.s32 @!p0 s1  }
0x10: {  	[bflag:$0x3] =	sbarrier.arrive $0xFFFF  }
0x11: {  	_ =	shalt  }

// kernel: kernel.17.cloned.1.call-start
scs
__scs_entry_jumppad:
0x0: {  	(pc) =	sbr.rel $0x88, $3  }
0x1: {  	(tag) =	ssettag $0x0;
	lr =	simm.s32 $0x1  }
0x2: {  	[smem:$0x3F99] =	sst lr;
	_ =	strace $0xD0000000  }
0x3: {  	_ = 	snop  }
0x4: {  	_ = 	snop  }
0x5: {  	_ = 	snop  }
0x6: {  	_ = 	snop  }
0x7: {  	_ = 	snop  }
__scs_overlays_trampoline_lowered:
0x8: {  	[smem:$0x3FA8] =	sst s0  }
0x9: {  	[smem:$0x3FA9] =	sst s1  }
0xa: {  	[smem:$0x3FAA] =	sst s2  }
0xb: {  	[smem:$0x3FAB] =	sst s3  }
0xc: {  	[smem:$0x3FAC] =	sst s4  }
0xd: {  	[smem:$0x3FAD] =	sst s5  }
0xe: {  	[smem:$0x3FAE] =	sst s6  }
0xf: {  	[smem:$0x3FAF] =	sst s7  }
0x10: {  	[smem:$0x3FB0] =	sst s8  }
0x11: {  	[smem:$0x3FB1] =	sst s9;
	s0 =	simm.s32 @!p0 $0x0  }
0x12: {  	s1 =	sld [smem:$0x3F97];
	s0 =	simm.s32 @p0 $0x1  }
0x13: {  	[smem:$0x3FB2] =	sst s0;
	s0 =	simm.s32 @!p1 $0x0  }
0x14: {  	s2 =	sld [smem:$0x3F96];
	s0 =	simm.s32 @p1 $0x1  }
0x15: {  	[smem:$0x3FB3] =	sst s0;
	s0 =	simm.s32 @!p2 $0x0  }
0x16: {  	s3 =	sld [smem:$0x3FDB];
	s0 =	simm.s32 @p2 $0x1  }
0x17: {  	s4 =	simm.s32 $0x1BF5;
	[smem:$0x3FB5] =	sst s0  }
0x18: {  	s0 =	sld [smem:$0x3F98];
	_ =	swait.ge [sflag:s4], $0x0  }
0x19: {  	s7 =	sld [smem:$0x3F99]  }
0x1a: {  	s8 =	sadd.s32 $0xFFFFE003, lr  }
0x1b: {  	s9 =	sadd.s32 $0xFFFFFEF7, lr;
	s5 =	simm.s32 $0xFFFFFFFF;
	p2 =	slt.u32 s8, $0xFFFFF086  }
0x1c: {  	p1 =	slt.u32 s9, $0xF7A;
	s5 =	simm.s32 @!p2 $0x0  }
0x1d: {  	s5 =	simm.s32 @p1 $0x1;
	p0 =	seq.s32 s7, s2  }
0x1e: {  	s7 =	smul.u32 @!p0 $0xF7A, s2;
	p2 =	seq.s32 @!p0 s5, $0x0  }
0x1f: {  	s9 =	smul.u32 $0xF7A, s1;
	s8 =	simm.s32 @!p0 $0x1BF5;
	p2 =	por !p2, p0  }
0x20: {  	[sflag:s8] =	ssyncset.s32 @!p0 $0xFFFFF086;
	s6 =	sadd.s32 @!p0 s3, s7;
	s7 =	simm.s32 @!p0 $0x108  }
0x21: {  	s3 =	sadd.s32 s3, s9;
	s6 =	sadd.s32 @!p0 $0x88, s6;
	s7 =	simm.s32 @p2 $0x1082  }
0x22: {  	[simem:s7], [sflag:s8] =	dma.local @!p0 [hbm:s6], $0xF7A  }
0x23: {  	s9 =	sor.u32 $0xD0000000, s2;
	s6 =	simm.s32 $0x108;
	_ =	swait.ge @!p0 [sflag:s8], $0x0  }
0x24: {  	s3 =	sadd.s32 $0x88, s3;
	s6 =	simm.s32 @!p1 $0x1082;
	[sflag:s4] =	ssyncset.s32 $0xFFFFF086  }
0x25: {  	[simem:s6], [sflag:s4] =	dma.local [hbm:s3], $0xF7A  }
0x26: {  	[smem:$0x3F99] =	sst s1;
	(tag) =	ssettag s2;
	_ =	strace s9  }
0x27: {  	s1 =	sld [smem:$0x3FA9]  }
0x28: {  	s2 =	sld [smem:$0x3FAA]  }
0x29: {  	s4 =	sld [smem:$0x3FAC]  }
0x2a: {  	p0 =	seq.s32 s5, $0x0;
	s5 =	sld [smem:$0x3FAD]  }
0x2b: {  	s6 =	sld [smem:$0x3FAE]  }
0x2c: {  	s7 =	sld [smem:$0x3FAF]  }
0x2d: {  	s3 =	simm.s32 $0x108;
	s8 =	sld [smem:$0x3FB0]  }
0x2e: {  	s3 =	simm.s32 @!p0 $0x1082;
	s9 =	sld [smem:$0x3FB1]  }
0x2f: {  	lr =	sadd.s32 s0, s3;
	s0 =	sld [smem:$0x3FA8]  }
0x30: {  	s3 =	sld [smem:$0x3FAB]  }
0x31: {  	[smem:$0x3FB4] =	sst s10  }
0x32: {  	s10 =	sld [smem:$0x3FB2];
	_ =	sdelay $0x3  }
0x33: {  	p0 =	seq.s32 s10, $0x1;
	s10 =	sld [smem:$0x3FB4];
	_ =	sdelay $0x3  }
0x34: {  	[smem:$0x3FB4] =	sst s10  }
0x35: {  	s10 =	sld [smem:$0x3FB3];
	_ =	sdelay $0x3  }
0x36: {  	p1 =	seq.s32 s10, $0x1;
	s10 =	sld [smem:$0x3FB4];
	_ =	sdelay $0x3  }
0x37: {  	[smem:$0x3FB4] =	sst s10  }
0x38: {  	s10 =	sld [smem:$0x3FB5]  }
0x39: {  	_ = 	snop;
	(pc) =	sbr.ind lr, $3  }
0x3a: {  	_ = 	snop  }
0x3b: {  	_ = 	snop  }
0x3c: {  	p2 =	seq.s32 s10, $0x1;
	s10 =	sld [smem:$0x3FB4]  }
0x3d: {  	_ =	shalt  }
0x3e: {  	_ =	shalt  }
0x3f: {  	_ =	shalt  }
0x40: {  	_ =	shalt  }
0x41: {  	_ =	shalt  }
0x42: {  	_ =	shalt  }
0x43: {  	_ =	shalt  }
0x44: {  	_ =	shalt  }
0x45: {  	_ =	shalt  }
0x46: {  	_ =	shalt  }
0x47: {  	_ =	shalt  }
0x48: {  	_ =	shalt  }
0x49: {  	_ =	shalt  }
0x4a: {  	_ =	shalt  }
0x4b: {  	_ =	shalt  }
0x4c: {  	_ =	shalt  }
0x4d: {  	_ =	shalt  }
0x4e: {  	_ =	shalt  }
0x4f: {  	_ =	shalt  }
0x50: {  	_ =	shalt  }
0x51: {  	_ =	shalt  }
0x52: {  	_ =	shalt  }
0x53: {  	_ =	shalt  }
0x54: {  	_ =	shalt  }
0x55: {  	_ =	shalt  }
0x56: {  	_ =	shalt  }
0x57: {  	_ =	shalt  }
0x58: {  	_ =	shalt  }
0x59: {  	_ =	shalt  }
0x5a: {  	_ =	shalt  }
0x5b: {  	_ =	shalt  }
0x5c: {  	_ =	shalt  }
0x5d: {  	_ =	shalt  }
0x5e: {  	_ =	shalt  }
0x5f: {  	_ =	shalt  }
0x60: {  	_ =	shalt  }
0x61: {  	_ =	shalt  }
0x62: {  	_ =	shalt  }
0x63: {  	_ =	shalt  }
0x64: {  	_ =	shalt  }
0x65: {  	_ =	shalt  }
0x66: {  	_ =	shalt  }
0x67: {  	_ =	shalt  }
0x68: {  	_ =	shalt  }
0x69: {  	_ =	shalt  }
0x6a: {  	_ =	shalt  }
0x6b: {  	_ =	shalt  }
0x6c: {  	_ =	shalt  }
0x6d: {  	_ =	shalt  }
0x6e: {  	_ =	shalt  }
0x6f: {  	_ =	shalt  }
0x70: {  	_ =	shalt  }
0x71: {  	_ =	shalt  }
0x72: {  	_ =	shalt  }
0x73: {  	_ =	shalt  }
0x74: {  	_ =	shalt  }
0x75: {  	_ =	shalt  }
0x76: {  	_ =	shalt  }
0x77: {  	_ =	shalt  }
0x78: {  	_ =	shalt  }
0x79: {  	_ =	shalt  }
0x7a: {  	_ =	shalt  }
0x7b: {  	_ =	shalt  }
0x7c: {  	_ =	shalt  }
0x7d: {  	_ =	shalt  }
0x7e: {  	_ =	shalt  }
0x7f: {  	_ =	shalt  }
0x80: {  	_ =	shalt  }
0x81: {  	_ =	shalt  }
0x82: {  	_ =	shalt  }
0x83: {  	_ =	shalt  }
0x84: {  	_ =	shalt  }
0x85: {  	_ =	shalt  }
0x86: {  	_ =	shalt  }
0x87: {  	_ =	shalt  }
.Lfunc_end0:
.L_simem_size_0:
called_computation.2_lowered:
.L_overlay_start_0:
0x88: {  	s1 =	sld [smem:$0x3FD9]  }
0x89: {  	s2 =	sld [smem:$0x3FFE];
	_ =	sdelay $0x1  }
0x8a: {  	s3 =	srdreg.scid  }
0x8b: {  	s0 =	sand.u32 $0x1, s3  }
0x8c: {  	s17 =	sshll.u32 s0, $0xA;
	s1 =	sadd.s32 s2, s1  }
0x8d: {  	s1 =	sadd.s32 s1, s17  }
0x8e: {  	[smem:$0x3FC0] =	sst s1  }
0x8f: {  	_ = 	snop  }
0x90: {  	(tm) =	ssettm $0x1  }
0x91: {  	s18 =	sld [smem:$0x3FFB];
	_ =	sdelay $0x3  }
0x92: {  	_ =	strace s18  }
0x93: {  	s1 =	sld [smem:$0x3FFC];
	_ =	sdelay $0x3  }
0x94: {  	_ =	strace s1  }
0x95: {  	s1 =	sld [smem:$0x3FFD];
	_ =	sdelay $0x3  }
0x96: {  	_ =	strace s1  }
0x97: {  	_ =	strace $0x8FFFFFFF  }
0x98: {  	s19 =	sld [smem:$0x3FDB];
	_ =	sdelay $0x1  }
0x99: {  	s20 =	simm.s32 $_scs_section_size  }
0x9a: {  	s4 =	simm.s32 $_size__tile_overlayer_lowered;
	s5 =	simm.s32 $_tile_overlayer_lowered  }
0x9b: {  	s23 =	simm.s32 $0x1BFF;
	s22 =	sshll.u32 s5, $0x1;
	s1 =	sadd.s32 s20, s19  }
0x9c: {  	s6 =	simm.s32 $0x0;
	s21 =	sshll.u32 s4, $0x1;
	s4 =	sadd.s32 s22, s1  }
0x9d: {  	[timem:s6], [sflag:s23] =	dma.local [hbm:s4], s21  }
0x9e: {  	_ =	swait.ge [sflag:s23], s21  }
0x9f: {  	s2 =	ssub.s32 $0x0, s21;
	[sflag:s23] =	ssyncset.done $0x0  }
0xa0: {  	[sflag:s23] =	ssyncadd.s32 s2;
	_ =	sdelay $0x1  }
0xa1: {  	s24 =	simm.s32 $0x1B8B  }
0xa2: {  	_ =	swait.ge [sflag:s24], $0x1  }
0xa3: {  	[sflag:s24] =	ssyncset.done $0x0  }
0xa4: {  	s25 =	simm.s32 $0x1B8E;
	[sflag:s24] =	ssyncadd.s32 $0xFFFFFFFF  }
0xa5: {  	s26 =	simm.s32 $execute0_lowered;
	[smem:$0x3FD2] =	sst s25  }
0xa6: {  	s2 =	sshll.u32 s26, $0x1;
	_ =	strace $0x8000004C;
	[dreg:$0x1] =	wrdreg $0xFFFFFFFF  }
0xa7: {  	s28 =	simm.s32 $_size_execute0_lowered;
	s1 =	sadd.s32 s1, s2;
	[dreg:$0x0] =	wrdreg $0x0  }
0xa8: {  	s2 =	sshll.u32 s28, $0x1;
	[dreg:$0x2] =	wrdreg s1  }
0xa9: {  	[dreg:$0x3] =	wrdreg s2  }
0xaa: {  	[dreg:$0x4] =	wrdreg $0xC0  }
0xab: {  	_ =	task [dreg:s6], $0x5FFFF  }
0xac: {  	[dreg:$0x1] =	wrdreg $0xFFFFFFFF  }
0xad: {  	[dreg:$0x0] =	wrdreg $0x60  }
0xae: {  	[dreg:$0x2] =	wrdreg $0x9  }
0xaf: {  	_ =	task.clear_ibuf [dreg:s6], $0x3FFFF;
	_ =	strace $0x9000004C  }
0xb0: {  	s29 =	simm.s32 $0x9;
	_ =	strace $0x8000004E  }
0xb1: {  	_ =	swait.ge [sflag:s29], $0x1  }
0xb2: {  	[sflag:s29] =	ssyncadd.s32 $0xFFFFFFFF  }
0xb3: {  	_ =	strace $0x9000004E  }
0xb4: {  	_ =	sfence  }
0xb5: {  	s30 =	sld [smem:$0x0];
	_ =	sdelay $0x2  }
0xb6: {  	s31 =	sshll.u32 s3, $0xD;
	s3 =	sshrl.u32 s3, $0x2  }
0xb7: {  	s2 =	sand.u32 $0x4000, s31;
	s1 =	sadd.s32 s3, s30  }
0xb8: {  	s0 =	sor.u32 s2, s0;
	s1 =	sshll.u32 s1, $0x11  }
0xb9: {  	s0 =	sor.u32 s1, s0  }
0xba: {  	s0 =	sadd.s32 $0x8F2B, s0  }
0xbb: {  	[sflag:s0] =	ssyncadd.remote.s32 $0x1  }
0xbc: {  	_ =	sfence.sel $0xFFFF  }
0xbd: {  	[dreg:$0x0] =	wrdreg $0xFFFFFFFF;
	(pc) =	sbr.abs _section_cstart, $3  }
0xbe: {  	[dreg:$0x1] =	wrdreg $0xFFFFFFFF  }
0xbf: {  	_ =	task.clear_ibuf [dreg:s6], $0x2FFFF;
	_ =	strace $0x9FFFFFFF  }
0xc0: {  	(tm) =	ssettm $0x7FFFFFFF  }
0xc1: {  	_ =	shalt  }
tec
execute0_lowered:
.L_overlay_start_1:
0x0: {  	(tag) =	ssettag $0x1  }
0x1: {  	s0 =	rddreg [dreg:$0x0];
	_ =	strace $0x8000004D  }
0x2: {  	_ =	sfence.sel $0x180000  }
0x3: {  	s1 =	stileid.u32;
	[bflag:$0x0] =	sbarrier.arrive $0xFFFF  }
0x4: {  	p0 =	sne.s32 s1, $0x0;
	_ =	strace $0x9000004D  }
0x5: {  	s0 =	sadd.s32 @!p0 $0x100000, s0;
	[bflag:$0x2] =	sbarrier.arrive $0xFFFF  }
0x6: {  	[sflag:s0] =	ssyncadd.tile.s32 @!p0 $0x1;
	_ =	shalt  }
.Lfunc_end2:
_tile_overlayer_lowered:
.L_overlay_start_2:
0x7: {  	(tag) =	ssettag $0x2  }
0x8: {  	s0 =	rddreg [dreg:$0x0];
	s2 =	stileid.u32  }
0x9: {  	s1 =	rddreg [dreg:$0x1];
	p0 =	sne.s32 s2, $0x0  }
0xa: {  	s3 =	rddreg [dreg:$0x2];
	[bflag:$0x3] =	sbarrier.arrive $0xFFFF;
	s2 =	simm.s32 @!p0 $0x1C01  }
0xb: {  	[timem:s3], [sflag:s2] =	dma.local @!p0 [hbm:s0], s1  }
0xc: {  	s0 =	simm.s32 @!p0 $0x1  }
0xd: {  	_ =	swait.ge @!p0 [sflag:s0], s1  }
0xe: {  	s1 =	ssub.s32 @!p0 $0x0, s1;
	[sflag:s0] =	ssyncset.done @!p0 $0x0  }
0xf: {  	[sflag:s0] =	ssyncadd.s32 @!p0 s1  }
0x10: {  	[bflag:$0x3] =	sbarrier.arrive $0xFFFF  }
0x11: {  	_ =	shalt  }

// kernel: kernel.20.cloned.1.call-start
scs
__scs_entry_jumppad:
0x0: {  	(pc) =	sbr.rel $0x88, $3  }
0x1: {  	(tag) =	ssettag $0x0;
	lr =	simm.s32 $0x1  }
0x2: {  	[smem:$0x3F99] =	sst lr;
	_ =	strace $0xD0000000  }
0x3: {  	_ = 	snop  }
0x4: {  	_ = 	snop  }
0x5: {  	_ = 	snop  }
0x6: {  	_ = 	snop  }
0x7: {  	_ = 	snop  }
__scs_overlays_trampoline_lowered:
0x8: {  	[smem:$0x3FA8] =	sst s0  }
0x9: {  	[smem:$0x3FA9] =	sst s1  }
0xa: {  	[smem:$0x3FAA] =	sst s2  }
0xb: {  	[smem:$0x3FAB] =	sst s3  }
0xc: {  	[smem:$0x3FAC] =	sst s4  }
0xd: {  	[smem:$0x3FAD] =	sst s5  }
0xe: {  	[smem:$0x3FAE] =	sst s6  }
0xf: {  	[smem:$0x3FAF] =	sst s7  }
0x10: {  	[smem:$0x3FB0] =	sst s8  }
0x11: {  	[smem:$0x3FB1] =	sst s9;
	s0 =	simm.s32 @!p0 $0x0  }
0x12: {  	s1 =	sld [smem:$0x3F97];
	s0 =	simm.s32 @p0 $0x1  }
0x13: {  	[smem:$0x3FB2] =	sst s0;
	s0 =	simm.s32 @!p1 $0x0  }
0x14: {  	s2 =	sld [smem:$0x3F96];
	s0 =	simm.s32 @p1 $0x1  }
0x15: {  	[smem:$0x3FB3] =	sst s0;
	s0 =	simm.s32 @!p2 $0x0  }
0x16: {  	s3 =	sld [smem:$0x3FDB];
	s0 =	simm.s32 @p2 $0x1  }
0x17: {  	s4 =	simm.s32 $0x1BF5;
	[smem:$0x3FB5] =	sst s0  }
0x18: {  	s0 =	sld [smem:$0x3F98];
	_ =	swait.ge [sflag:s4], $0x0  }
0x19: {  	s7 =	sld [smem:$0x3F99]  }
0x1a: {  	s8 =	sadd.s32 $0xFFFFE003, lr  }
0x1b: {  	s9 =	sadd.s32 $0xFFFFFEF7, lr;
	s5 =	simm.s32 $0xFFFFFFFF;
	p2 =	slt.u32 s8, $0xFFFFF086  }
0x1c: {  	p1 =	slt.u32 s9, $0xF7A;
	s5 =	simm.s32 @!p2 $0x0  }
0x1d: {  	s5 =	simm.s32 @p1 $0x1;
	p0 =	seq.s32 s7, s2  }
0x1e: {  	s7 =	smul.u32 @!p0 $0xF7A, s2;
	p2 =	seq.s32 @!p0 s5, $0x0  }
0x1f: {  	s9 =	smul.u32 $0xF7A, s1;
	s8 =	simm.s32 @!p0 $0x1BF5;
	p2 =	por !p2, p0  }
0x20: {  	[sflag:s8] =	ssyncset.s32 @!p0 $0xFFFFF086;
	s6 =	sadd.s32 @!p0 s3, s7;
	s7 =	simm.s32 @!p0 $0x108  }
0x21: {  	s3 =	sadd.s32 s3, s9;
	s6 =	sadd.s32 @!p0 $0x88, s6;
	s7 =	simm.s32 @p2 $0x1082  }
0x22: {  	[simem:s7], [sflag:s8] =	dma.local @!p0 [hbm:s6], $0xF7A  }
0x23: {  	s9 =	sor.u32 $0xD0000000, s2;
	s6 =	simm.s32 $0x108;
	_ =	swait.ge @!p0 [sflag:s8], $0x0  }
0x24: {  	s3 =	sadd.s32 $0x88, s3;
	s6 =	simm.s32 @!p1 $0x1082;
	[sflag:s4] =	ssyncset.s32 $0xFFFFF086  }
0x25: {  	[simem:s6], [sflag:s4] =	dma.local [hbm:s3], $0xF7A  }
0x26: {  	[smem:$0x3F99] =	sst s1;
	(tag) =	ssettag s2;
	_ =	strace s9  }
0x27: {  	s1 =	sld [smem:$0x3FA9]  }
0x28: {  	s2 =	sld [smem:$0x3FAA]  }
0x29: {  	s4 =	sld [smem:$0x3FAC]  }
0x2a: {  	p0 =	seq.s32 s5, $0x0;
	s5 =	sld [smem:$0x3FAD]  }
0x2b: {  	s6 =	sld [smem:$0x3FAE]  }
0x2c: {  	s7 =	sld [smem:$0x3FAF]  }
0x2d: {  	s3 =	simm.s32 $0x108;
	s8 =	sld [smem:$0x3FB0]  }
0x2e: {  	s3 =	simm.s32 @!p0 $0x1082;
	s9 =	sld [smem:$0x3FB1]  }
0x2f: {  	lr =	sadd.s32 s0, s3;
	s0 =	sld [smem:$0x3FA8]  }
0x30: {  	s3 =	sld [smem:$0x3FAB]  }
0x31: {  	[smem:$0x3FB4] =	sst s10  }
0x32: {  	s10 =	sld [smem:$0x3FB2];
	_ =	sdelay $0x3  }
0x33: {  	p0 =	seq.s32 s10, $0x1;
	s10 =	sld [smem:$0x3FB4];
	_ =	sdelay $0x3  }
0x34: {  	[smem:$0x3FB4] =	sst s10  }
0x35: {  	s10 =	sld [smem:$0x3FB3];
	_ =	sdelay $0x3  }
0x36: {  	p1 =	seq.s32 s10, $0x1;
	s10 =	sld [smem:$0x3FB4];
	_ =	sdelay $0x3  }
0x37: {  	[smem:$0x3FB4] =	sst s10  }
0x38: {  	s10 =	sld [smem:$0x3FB5]  }
0x39: {  	_ = 	snop;
	(pc) =	sbr.ind lr, $3  }
0x3a: {  	_ = 	snop  }
0x3b: {  	_ = 	snop  }
0x3c: {  	p2 =	seq.s32 s10, $0x1;
	s10 =	sld [smem:$0x3FB4]  }
0x3d: {  	_ =	shalt  }
0x3e: {  	_ =	shalt  }
0x3f: {  	_ =	shalt  }
0x40: {  	_ =	shalt  }
0x41: {  	_ =	shalt  }
0x42: {  	_ =	shalt  }
0x43: {  	_ =	shalt  }
0x44: {  	_ =	shalt  }
0x45: {  	_ =	shalt  }
0x46: {  	_ =	shalt  }
0x47: {  	_ =	shalt  }
0x48: {  	_ =	shalt  }
0x49: {  	_ =	shalt  }
0x4a: {  	_ =	shalt  }
0x4b: {  	_ =	shalt  }
0x4c: {  	_ =	shalt  }
0x4d: {  	_ =	shalt  }
0x4e: {  	_ =	shalt  }
0x4f: {  	_ =	shalt  }
0x50: {  	_ =	shalt  }
0x51: {  	_ =	shalt  }
0x52: {  	_ =	shalt  }
0x53: {  	_ =	shalt  }
0x54: {  	_ =	shalt  }
0x55: {  	_ =	shalt  }
0x56: {  	_ =	shalt  }
0x57: {  	_ =	shalt  }
0x58: {  	_ =	shalt  }
0x59: {  	_ =	shalt  }
0x5a: {  	_ =	shalt  }
0x5b: {  	_ =	shalt  }
0x5c: {  	_ =	shalt  }
0x5d: {  	_ =	shalt  }
0x5e: {  	_ =	shalt  }
0x5f: {  	_ =	shalt  }
0x60: {  	_ =	shalt  }
0x61: {  	_ =	shalt  }
0x62: {  	_ =	shalt  }
0x63: {  	_ =	shalt  }
0x64: {  	_ =	shalt  }
0x65: {  	_ =	shalt  }
0x66: {  	_ =	shalt  }
0x67: {  	_ =	shalt  }
0x68: {  	_ =	shalt  }
0x69: {  	_ =	shalt  }
0x6a: {  	_ =	shalt  }
0x6b: {  	_ =	shalt  }
0x6c: {  	_ =	shalt  }
0x6d: {  	_ =	shalt  }
0x6e: {  	_ =	shalt  }
0x6f: {  	_ =	shalt  }
0x70: {  	_ =	shalt  }
0x71: {  	_ =	shalt  }
0x72: {  	_ =	shalt  }
0x73: {  	_ =	shalt  }
0x74: {  	_ =	shalt  }
0x75: {  	_ =	shalt  }
0x76: {  	_ =	shalt  }
0x77: {  	_ =	shalt  }
0x78: {  	_ =	shalt  }
0x79: {  	_ =	shalt  }
0x7a: {  	_ =	shalt  }
0x7b: {  	_ =	shalt  }
0x7c: {  	_ =	shalt  }
0x7d: {  	_ =	shalt  }
0x7e: {  	_ =	shalt  }
0x7f: {  	_ =	shalt  }
0x80: {  	_ =	shalt  }
0x81: {  	_ =	shalt  }
0x82: {  	_ =	shalt  }
0x83: {  	_ =	shalt  }
0x84: {  	_ =	shalt  }
0x85: {  	_ =	shalt  }
0x86: {  	_ =	shalt  }
0x87: {  	_ =	shalt  }
.Lfunc_end0:
.L_simem_size_0:
called_computation.3_lowered:
.L_overlay_start_0:
0x88: {  	s1 =	sld [smem:$0x3FD9]  }
0x89: {  	s2 =	sld [smem:$0x3FFE];
	_ =	sdelay $0x1  }
0x8a: {  	s3 =	srdreg.scid  }
0x8b: {  	s0 =	sand.u32 $0x1, s3  }
0x8c: {  	s17 =	sshll.u32 s0, $0xA;
	s1 =	sadd.s32 s2, s1  }
0x8d: {  	s1 =	sadd.s32 s1, s17  }
0x8e: {  	[smem:$0x3FC0] =	sst s1  }
0x8f: {  	_ = 	snop  }
0x90: {  	(tm) =	ssettm $0x1  }
0x91: {  	s18 =	sld [smem:$0x3FFB];
	_ =	sdelay $0x3  }
0x92: {  	_ =	strace s18  }
0x93: {  	s1 =	sld [smem:$0x3FFC];
	_ =	sdelay $0x3  }
0x94: {  	_ =	strace s1  }
0x95: {  	s1 =	sld [smem:$0x3FFD];
	_ =	sdelay $0x3  }
0x96: {  	_ =	strace s1  }
0x97: {  	_ =	strace $0x8FFFFFFF  }
0x98: {  	s19 =	sld [smem:$0x3FDB];
	_ =	sdelay $0x1  }
0x99: {  	s20 =	simm.s32 $_scs_section_size  }
0x9a: {  	s4 =	simm.s32 $_size__tile_overlayer_lowered;
	s5 =	simm.s32 $_tile_overlayer_lowered  }
0x9b: {  	s23 =	simm.s32 $0x1BFF;
	s22 =	sshll.u32 s5, $0x1;
	s1 =	sadd.s32 s20, s19  }
0x9c: {  	s6 =	simm.s32 $0x0;
	s21 =	sshll.u32 s4, $0x1;
	s4 =	sadd.s32 s22, s1  }
0x9d: {  	[timem:s6], [sflag:s23] =	dma.local [hbm:s4], s21  }
0x9e: {  	_ =	swait.ge [sflag:s23], s21  }
0x9f: {  	s2 =	ssub.s32 $0x0, s21;
	[sflag:s23] =	ssyncset.done $0x0  }
0xa0: {  	[sflag:s23] =	ssyncadd.s32 s2;
	_ =	sdelay $0x1  }
0xa1: {  	s24 =	simm.s32 $0x1B8B  }
0xa2: {  	_ =	swait.ge [sflag:s24], $0x1  }
0xa3: {  	[sflag:s24] =	ssyncset.done $0x0  }
0xa4: {  	s25 =	simm.s32 $0x1B8E;
	[sflag:s24] =	ssyncadd.s32 $0xFFFFFFFF  }
0xa5: {  	s26 =	simm.s32 $execute0_lowered;
	[smem:$0x3FD2] =	sst s25  }
0xa6: {  	s2 =	sshll.u32 s26, $0x1;
	_ =	strace $0x8000004F;
	[dreg:$0x1] =	wrdreg $0xFFFFFFFF  }
0xa7: {  	s28 =	simm.s32 $_size_execute0_lowered;
	s1 =	sadd.s32 s1, s2;
	[dreg:$0x0] =	wrdreg $0x0  }
0xa8: {  	s2 =	sshll.u32 s28, $0x1;
	[dreg:$0x2] =	wrdreg s1  }
0xa9: {  	[dreg:$0x3] =	wrdreg s2  }
0xaa: {  	[dreg:$0x4] =	wrdreg $0xC0  }
0xab: {  	_ =	task [dreg:s6], $0x5FFFF  }
0xac: {  	[dreg:$0x1] =	wrdreg $0xFFFFFFFF  }
0xad: {  	[dreg:$0x0] =	wrdreg $0x60  }
0xae: {  	[dreg:$0x2] =	wrdreg $0x9  }
0xaf: {  	_ =	task.clear_ibuf [dreg:s6], $0x3FFFF;
	_ =	strace $0x9000004F  }
0xb0: {  	s29 =	simm.s32 $0x9;
	_ =	strace $0x80000051  }
0xb1: {  	_ =	swait.ge [sflag:s29], $0x1  }
0xb2: {  	[sflag:s29] =	ssyncadd.s32 $0xFFFFFFFF  }
0xb3: {  	_ =	strace $0x90000051  }
0xb4: {  	_ =	sfence  }
0xb5: {  	s30 =	sld [smem:$0x0];
	_ =	sdelay $0x2  }
0xb6: {  	s31 =	sshll.u32 s3, $0xD;
	s3 =	sshrl.u32 s3, $0x2  }
0xb7: {  	s2 =	sand.u32 $0x4000, s31;
	s1 =	sadd.s32 s3, s30  }
0xb8: {  	s0 =	sor.u32 s2, s0;
	s1 =	sshll.u32 s1, $0x11  }
0xb9: {  	s0 =	sor.u32 s1, s0  }
0xba: {  	s0 =	sadd.s32 $0x8F2B, s0  }
0xbb: {  	[sflag:s0] =	ssyncadd.remote.s32 $0x1  }
0xbc: {  	_ =	sfence.sel $0xFFFF  }
0xbd: {  	[dreg:$0x0] =	wrdreg $0xFFFFFFFF;
	(pc) =	sbr.abs _section_cstart, $3  }
0xbe: {  	[dreg:$0x1] =	wrdreg $0xFFFFFFFF  }
0xbf: {  	_ =	task.clear_ibuf [dreg:s6], $0x2FFFF;
	_ =	strace $0x9FFFFFFF  }
0xc0: {  	(tm) =	ssettm $0x7FFFFFFF  }
0xc1: {  	_ =	shalt  }
tec
execute0_lowered:
.L_overlay_start_1:
0x0: {  	(tag) =	ssettag $0x1  }
0x1: {  	s0 =	rddreg [dreg:$0x0];
	_ =	strace $0x80000050  }
0x2: {  	_ =	sfence.sel $0x180000  }
0x3: {  	s1 =	stileid.u32;
	[bflag:$0x0] =	sbarrier.arrive $0xFFFF  }
0x4: {  	p0 =	sne.s32 s1, $0x0;
	_ =	strace $0x90000050  }
0x5: {  	s0 =	sadd.s32 @!p0 $0x100000, s0;
	[bflag:$0x2] =	sbarrier.arrive $0xFFFF  }
0x6: {  	[sflag:s0] =	ssyncadd.tile.s32 @!p0 $0x1;
	_ =	shalt  }
.Lfunc_end2:
_tile_overlayer_lowered:
.L_overlay_start_2:
0x7: {  	(tag) =	ssettag $0x2  }
0x8: {  	s0 =	rddreg [dreg:$0x0];
	s2 =	stileid.u32  }
0x9: {  	s1 =	rddreg [dreg:$0x1];
	p0 =	sne.s32 s2, $0x0  }
0xa: {  	s3 =	rddreg [dreg:$0x2];
	[bflag:$0x3] =	sbarrier.arrive $0xFFFF;
	s2 =	simm.s32 @!p0 $0x1C01  }
0xb: {  	[timem:s3], [sflag:s2] =	dma.local @!p0 [hbm:s0], s1  }
0xc: {  	s0 =	simm.s32 @!p0 $0x1  }
0xd: {  	_ =	swait.ge @!p0 [sflag:s0], s1  }
0xe: {  	s1 =	ssub.s32 @!p0 $0x0, s1;
	[sflag:s0] =	ssyncset.done @!p0 $0x0  }
0xf: {  	[sflag:s0] =	ssyncadd.s32 @!p0 s1  }
0x10: {  	[bflag:$0x3] =	sbarrier.arrive $0xFFFF  }
0x11: {  	_ =	shalt  }

</sc_bundles>
